<compile_context>
chip_gen: v7x
topology: tpu7x:2x2x1
jax: 0.10.2.dev20260603
libtpu: 0.0.44.dev20260713+nightly
codegen_flags: <defaults>
</compile_context>

<pallas_src>
import jax
import jax.numpy as jnp
from jax import lax
from jax.experimental import pallas as pl
from jax.experimental.pallas import tpu as pltpu, tpu_sc as plsc

TWO_PIN_NET_NUM = 100000
L_PATTERN_NUM = 4
NPF = TWO_PIN_NET_NUM * L_PATTERN_NUM
G = 2 * 512 * 512
NNZ = 8000000
CAPACITY = 2.0
WCONG = 1.0

NC = 2
NS = 16
NW = NC * NS

PF_PER_SUB = 25008
NPF_PAD = NS * PF_PER_SUB
G_PER_SUB = G // NS
ZCH = 2048

ROWS = NNZ // 128
CHK = 16
ROWS_PAD = ((ROWS + 2 * NW * CHK - 1) // (2 * NW * CHK)) * (2 * NW * CHK)
RPW = ROWS_PAD // NW
N_CHUNKS = RPW // CHK
PADN = (ROWS_PAD - ROWS) * 128
PAD_LOCAL = NPF - (NS - 1) * PF_PER_SUB


_SHUF_DNUMS = lax.GatherDimensionNumbers(
    offset_dims=(), collapsed_slice_dims=(0,), start_index_map=(0,))


def _shuffle(x, idx2):
    return lax.gather(x, idx2, _SHUF_DNUMS, (1,),
                      mode=lax.GatherScatterMode.PROMISE_IN_BOUNDS)


def _sc_body(p1_hbm, g1_hbm, tau_hbm, rows_hbm, cols_hbm,
             d0_hbm, d1_hbm,
             pbuf, gbuf, taub, zbuf, colsb, rowsb, valsb,
             colsb2, rowsb2, valsb2,
             p_sh, dem_sh, ssem):
    c = lax.axis_index("c")
    s = lax.axis_index("s")
    wid = s * NC + c

    base_pf = s * PF_PER_SUB
    pltpu.sync_copy(p1_hbm.at[pl.ds(base_pf, PF_PER_SUB)], pbuf)
    pltpu.sync_copy(g1_hbm.at[pl.ds(base_pf, PF_PER_SUB)], gbuf)
    pltpu.sync_copy(tau_hbm, taub)
    tau = taub[...]
    lane = lax.iota(jnp.int32, 16)
    perm1 = (lane ^ 1)[:, None]
    perm2 = (lane ^ 2)[:, None]

    def sm_body(j, carry):
        b = j * 16
        x = (pbuf[pl.ds(b, 16)] + gbuf[pl.ds(b, 16)]) / tau
        m = jnp.maximum(x, _shuffle(x, perm1))
        m = jnp.maximum(m, _shuffle(m, perm2))
        e = jnp.exp(x - m)
        t = e + _shuffle(e, perm1)
        t = t + _shuffle(t, perm2)
        pbuf[pl.ds(b, 16)] = e / t
        return carry

    lax.fori_loop(0, PF_PER_SUB // 16, sm_body, 0)

    @pl.when(s == NS - 1)
    def _():
        def zp_body(k, carry):
            pbuf[pl.ds(PAD_LOCAL + k * 16, 16)] = jnp.zeros((16,), jnp.float32)
            return carry

        lax.fori_loop(0, (PF_PER_SUB - PAD_LOCAL) // 16, zp_body, 0)

    pltpu.sync_copy(pbuf, p_sh.at[pl.ds(base_pf, PF_PER_SUB)])

    def z_body(k, carry):
        zbuf[pl.ds(k * 16, 16)] = jnp.zeros((16,), jnp.float32)
        return carry

    lax.fori_loop(0, ZCH // 16, z_body, 0)

    def zc_body(k, carry):
        pltpu.sync_copy(zbuf, dem_sh.at[pl.ds(s * G_PER_SUB + k * ZCH, ZCH)])
        return carry

    lax.fori_loop(0, G_PER_SUB // ZCH, zc_body, 0)

    plsc.subcore_barrier()

    start = wid * RPW

    def c_body(t, carry):
        base0 = (start + 2 * t * CHK) * 128
        base1 = base0 + CHK * 128
        pltpu.sync_copy(cols_hbm.at[pl.ds(base0, CHK * 128)], colsb)
        pltpu.sync_copy(rows_hbm.at[pl.ds(base0, CHK * 128)], rowsb)
        pltpu.sync_copy(p_sh.at[colsb], valsb)
        sa = pltpu.async_copy(valsb, dem_sh.at[rowsb], ssem, add=True)
        pltpu.sync_copy(cols_hbm.at[pl.ds(base1, CHK * 128)], colsb2)
        pltpu.sync_copy(rows_hbm.at[pl.ds(base1, CHK * 128)], rowsb2)
        pltpu.sync_copy(p_sh.at[colsb2], valsb2)
        sa.wait()
        sb = pltpu.async_copy(valsb2, dem_sh.at[rowsb2], ssem, add=True)
        sb.wait()
        return carry

    lax.fori_loop(0, N_CHUNKS // 2, c_body, 0)

    plsc.subcore_barrier()

    off = s * G_PER_SUB

    @pl.when(c == 0)
    def _():
        pltpu.sync_copy(dem_sh.at[pl.ds(off, G_PER_SUB)],
                        d0_hbm.at[pl.ds(off, G_PER_SUB)])

    @pl.when(c == 1)
    def _():
        pltpu.sync_copy(dem_sh.at[pl.ds(off, G_PER_SUB)],
                        d1_hbm.at[pl.ds(off, G_PER_SUB)])


_sc_call = pl.kernel(
    _sc_body,
    out_type=(jax.ShapeDtypeStruct((G,), jnp.float32),
              jax.ShapeDtypeStruct((G,), jnp.float32)),
    mesh=plsc.VectorSubcoreMesh(core_axis_name="c", subcore_axis_name="s"),
    scratch_types=[
        pltpu.VMEM((PF_PER_SUB,), jnp.float32),
        pltpu.VMEM((PF_PER_SUB,), jnp.float32),
        pltpu.VMEM((16,), jnp.float32),
        pltpu.VMEM((ZCH,), jnp.float32),
        pltpu.VMEM((CHK * 128,), jnp.int32),
        pltpu.VMEM((CHK * 128,), jnp.int32),
        pltpu.VMEM((CHK * 128,), jnp.float32),
        pltpu.VMEM((CHK * 128,), jnp.int32),
        pltpu.VMEM((CHK * 128,), jnp.int32),
        pltpu.VMEM((CHK * 128,), jnp.float32),
        pltpu.VMEM_SHARED((NPF_PAD,), jnp.float32),
        pltpu.VMEM_SHARED((G,), jnp.float32),
        pltpu.SemaphoreType.DMA,
    ],
)

RED_ROWS = G // 128
RED_BLK = 512
RED_GRID = RED_ROWS // RED_BLK


def _red_body(d0_ref, d1_ref, o_ref):
    i = pl.program_id(0)
    x = d0_ref[...] + d1_ref[...]
    part = jnp.sum(jnp.maximum(x - CAPACITY, 0.0)) * WCONG

    @pl.when(i == 0)
    def _():
        o_ref[...] = jnp.zeros_like(o_ref)

    row = lax.broadcasted_iota(jnp.int32, (8, 128), 0)
    col = lax.broadcasted_iota(jnp.int32, (8, 128), 1)
    o_ref[...] += jnp.where((row == 0) & (col == 0), part, 0.0)


_red_call = pl.pallas_call(
    _red_body,
    grid=(RED_GRID,),
    in_specs=[pl.BlockSpec((RED_BLK, 128), lambda i: (i, 0)),
              pl.BlockSpec((RED_BLK, 128), lambda i: (i, 0))],
    out_specs=pl.BlockSpec((8, 128), lambda i: (0, 0)),
    out_shape=jax.ShapeDtypeStruct((8, 128), jnp.float32),
)


def kernel(P, gumbel, Tau, mask_rows, mask_cols):
    p1 = jnp.pad(P.reshape(NPF), (0, NPF_PAD - NPF))
    g1 = jnp.pad(gumbel.reshape(NPF), (0, NPF_PAD - NPF))
    taub = jnp.full((16,), Tau, jnp.float32)
    rows_p = jnp.concatenate(
        [mask_rows.astype(jnp.int32), jnp.zeros((PADN,), jnp.int32)])
    cols_p = jnp.concatenate(
        [mask_cols.astype(jnp.int32), jnp.full((PADN,), NPF, jnp.int32)])
    d0, d1 = _sc_call(p1, g1, taub, rows_p, cols_p)
    acc = _red_call(d0.reshape(RED_ROWS, 128), d1.reshape(RED_ROWS, 128))
    return acc[0, 0]

# --- scband reference (transcript-rebuilt; emitter-appended) ---
"""Pipeline reference for scband-mtsroute-14018773254681 (READ-ONLY COPY).

The authoritative reference and input builder live on the scoring server;
editing this copy changes nothing except your own understanding.
"""

import jax, jax.numpy as jnp
import numpy as np

TWO_PIN_NET_NUM = 100000
L_PATTERN_NUM = 4
GX, GY, LAYERS = 512, 512, 2
G = LAYERS * GX * GY
NNZ = 8000000
CAPACITY = 2.0
WCONG = 1.0


def setup_inputs(seed: int = 0) -> dict:
    key = jax.random.key(seed)
    k1, k2, k3, k4 = jax.random.split(key, 4)
    # learned parameter (self.changed_P_array)
    P = jax.random.normal(k1, (TWO_PIN_NET_NUM, L_PATTERN_NUM), dtype=jnp.float32)
    # pre-drawn gumbel noise so gumbel_softmax is deterministic
    u = jax.random.uniform(k2, (TWO_PIN_NET_NUM, L_PATTERN_NUM), dtype=jnp.float32, minval=1e-6, maxval=1.0 - 1e-6)
    gumbel = -jnp.log(-jnp.log(u))
    # sparse COO all_gcell_mask: row = gcell linear index, col = net*L_pattern_num + pattern
    mask_rows = jax.random.randint(k3, (NNZ,), 0, G)
    mask_cols = jax.random.randint(k4, (NNZ,), 0, TWO_PIN_NET_NUM * L_PATTERN_NUM)
    Tau = jnp.float32(1.0)
    return {"P": P, "gumbel": gumbel, "Tau": Tau, "mask_rows": mask_rows, "mask_cols": mask_cols}


def reference(P, gumbel, Tau, mask_rows, mask_cols):
    # gumbel_softmax(P, tau=Tau, hard=False, dim=1)
    logits = (P + gumbel) / Tau
    p = jax.nn.softmax(logits, axis=1)
    p_flat = p.reshape(TWO_PIN_NET_NUM * L_PATTERN_NUM)
    # spmm(all_gcell_mask, p_flat) -> gather values by column, scatter-add by row
    vals = jnp.take(p_flat, mask_cols, axis=0)
    all_gcell_demand = jax.ops.segment_sum(vals, mask_rows, num_segments=G)
    # overflow loss: clamp(demand - capacity, 0) * Wcong, summed
    overflow = jnp.clip(all_gcell_demand - CAPACITY, 0.0, None) * WCONG
    loss = jnp.sum(overflow)
    return loss

if __name__ == "__main__":
    import jax
    _d = setup_inputs()
    print(jax.jit(kernel)(*tuple(_d.values())))

</pallas_src>

<mosaic_0001>
#map = affine_map<(d0, d1) -> (0)>
module attributes {stable_mosaic.version = 14 : i64} {
  func.func @_sc_body(%arg0: i32, %arg1: i32, %arg2: memref<400128xf32, #tpu.memory_space<hbm>>, %arg3: memref<400128xf32, #tpu.memory_space<hbm>>, %arg4: memref<16xf32, #tpu.memory_space<hbm>>, %arg5: memref<8126464xi32, #tpu.memory_space<hbm>>, %arg6: memref<8126464xi32, #tpu.memory_space<hbm>>, %arg7: memref<524288xf32, #tpu.memory_space<hbm>>, %arg8: memref<524288xf32, #tpu.memory_space<hbm>>, %arg9: memref<25008xf32, #tpu.memory_space<vmem>>, %arg10: memref<25008xf32, #tpu.memory_space<vmem>>, %arg11: memref<16xf32, #tpu.memory_space<vmem>>, %arg12: memref<2048xf32, #tpu.memory_space<vmem>>, %arg13: memref<2048xi32, #tpu.memory_space<vmem>>, %arg14: memref<2048xi32, #tpu.memory_space<vmem>>, %arg15: memref<2048xf32, #tpu.memory_space<vmem>>, %arg16: memref<2048xi32, #tpu.memory_space<vmem>>, %arg17: memref<2048xi32, #tpu.memory_space<vmem>>, %arg18: memref<2048xf32, #tpu.memory_space<vmem>>, %arg19: memref<400128xf32, #tpu.memory_space<vmem_shared>>, %arg20: memref<524288xf32, #tpu.memory_space<vmem_shared>>, %arg21: memref<!tpu.dma_semaphore, #tpu.memory_space<semaphore_mem>>) attributes {dimension_semantics = [#tpu.dimension_semantics<core_parallel>, #tpu.dimension_semantics<subcore_parallel>], iteration_bounds = array<i64: 2, 16>, scalar_prefetch = 0 : i64, scratch_operands = 13 : i64, tpu.core_type = #tpu.core_type<sc_vector_subcore>, window_params = [{transform_indices = #map}, {transform_indices = #map}, {transform_indices = #map}, {transform_indices = #map}, {transform_indices = #map}, {transform_indices = #map}, {transform_indices = #map}]} {
    %mul3A = arith.constant 2 : i32
    %mul3A_0 = arith.muli %arg1, %mul3A : i32
    %add3A = arith.addi %mul3A_0, %arg0 : i32
    %mul3A_1 = arith.constant 25008 : i32
    %mul3A_2 = arith.muli %arg1, %mul3A_1 : i32
    "tpu.region"() ({
      %run_scoped3A = tpu.sem_alloc : memref<!tpu.dma_semaphore, #tpu.memory_space<semaphore_mem>>
      %dma_start3A = tpu.memref_slice %arg2[%mul3A_2] : memref<400128xf32, #tpu.memory_space<hbm>> -> memref<25008xf32, #tpu.memory_space<hbm>>
      %dma_start3A_51 = tpu.memref_slice %arg2[%mul3A_2] : memref<400128xf32, #tpu.memory_space<hbm>> -> memref<25008xf32, #tpu.memory_space<hbm>>
      tpu.enqueue_dma source(%dma_start3A_51 : memref<25008xf32, #tpu.memory_space<hbm>>) target(%arg9 : memref<25008xf32, #tpu.memory_space<vmem>>) target_semaphore(%run_scoped3A : memref<!tpu.dma_semaphore, #tpu.memory_space<semaphore_mem>>)
      %dma_wait3A = tpu.memref_slice %arg2[%mul3A_2] : memref<400128xf32, #tpu.memory_space<hbm>> -> memref<25008xf32, #tpu.memory_space<hbm>>
      %dma_wait3A_52 = tpu.memref_slice %arg2[%mul3A_2] : memref<400128xf32, #tpu.memory_space<hbm>> -> memref<25008xf32, #tpu.memory_space<hbm>>
      tpu.wait_dma2 semaphore(%run_scoped3A : memref<!tpu.dma_semaphore, #tpu.memory_space<semaphore_mem>>) src(%dma_wait3A_52 : memref<25008xf32, #tpu.memory_space<hbm>>) dst(%arg9 : memref<25008xf32, #tpu.memory_space<vmem>>)
      tpu.yield
    }) : () -> ()
    "tpu.region"() ({
      %run_scoped3A = tpu.sem_alloc : memref<!tpu.dma_semaphore, #tpu.memory_space<semaphore_mem>>
      %dma_start3A = tpu.memref_slice %arg3[%mul3A_2] : memref<400128xf32, #tpu.memory_space<hbm>> -> memref<25008xf32, #tpu.memory_space<hbm>>
      %dma_start3A_51 = tpu.memref_slice %arg3[%mul3A_2] : memref<400128xf32, #tpu.memory_space<hbm>> -> memref<25008xf32, #tpu.memory_space<hbm>>
      tpu.enqueue_dma source(%dma_start3A_51 : memref<25008xf32, #tpu.memory_space<hbm>>) target(%arg10 : memref<25008xf32, #tpu.memory_space<vmem>>) target_semaphore(%run_scoped3A : memref<!tpu.dma_semaphore, #tpu.memory_space<semaphore_mem>>)
      %dma_wait3A = tpu.memref_slice %arg3[%mul3A_2] : memref<400128xf32, #tpu.memory_space<hbm>> -> memref<25008xf32, #tpu.memory_space<hbm>>
      %dma_wait3A_52 = tpu.memref_slice %arg3[%mul3A_2] : memref<400128xf32, #tpu.memory_space<hbm>> -> memref<25008xf32, #tpu.memory_space<hbm>>
      tpu.wait_dma2 semaphore(%run_scoped3A : memref<!tpu.dma_semaphore, #tpu.memory_space<semaphore_mem>>) src(%dma_wait3A_52 : memref<25008xf32, #tpu.memory_space<hbm>>) dst(%arg10 : memref<25008xf32, #tpu.memory_space<vmem>>)
      tpu.yield
    }) : () -> ()
    "tpu.region"() ({
      %run_scoped3A = tpu.sem_alloc : memref<!tpu.dma_semaphore, #tpu.memory_space<semaphore_mem>>
      tpu.enqueue_dma source(%arg4 : memref<16xf32, #tpu.memory_space<hbm>>) target(%arg11 : memref<16xf32, #tpu.memory_space<vmem>>) target_semaphore(%run_scoped3A : memref<!tpu.dma_semaphore, #tpu.memory_space<semaphore_mem>>)
      tpu.wait_dma2 semaphore(%run_scoped3A : memref<!tpu.dma_semaphore, #tpu.memory_space<semaphore_mem>>) src(%arg4 : memref<16xf32, #tpu.memory_space<hbm>>) dst(%arg11 : memref<16xf32, #tpu.memory_space<vmem>>)
      tpu.yield
    }) : () -> ()
    %get3A = arith.constant 0 : index
    %get3A_3 = tpu.vector_load %arg11[%get3A] {strides = array<i32>} : memref<16xf32, #tpu.memory_space<vmem>>, vector<16xf32>,
    %get3A_4 = vector.shape_cast %get3A_3 : vector<16xf32> to vector<16xf32>
    %iota3A = tpu.iota {dimensions = array<i32: 0>} : vector<16xi32>
    %xor3A = arith.constant 1 : i32
    %xor3A_5 = vector.broadcast %xor3A : i32 to vector<16xi32>
    %xor3A_6 = arith.xori %iota3A, %xor3A_5 : vector<16xi32>
    %broadcast_in_dim3A = vector.shape_cast %xor3A_6 : vector<16xi32> to vector<16x1xi32>
    %xor3A_7 = arith.constant 2 : i32
    %xor3A_8 = vector.broadcast %xor3A_7 : i32 to vector<16xi32>
    %xor3A_9 = arith.xori %iota3A, %xor3A_8 : vector<16xi32>
    %broadcast_in_dim3A_10 = vector.shape_cast %xor3A_9 : vector<16xi32> to vector<16x1xi32>
    %scan3A = arith.constant 0 : i32
    %scan3A_11 = arith.constant 0 : i32
    %scan3A_12 = arith.constant 1563 : i32
    %scan3A_13 = arith.addi %scan3A_11, %scan3A_12 : i32
    %scan3A_14 = arith.constant 1 : i32
    scf.for %scan3A_51 = %scan3A_11 to %scan3A_13 step %scan3A_14  : i32 {
      %mul3A_52 = arith.constant 16 : i32
      %mul3A_53 = arith.muli %scan3A_51, %mul3A_52 : i32
      %get3A_54 = arith.index_cast %mul3A_53 : i32 to index
      %get3A_55 = tpu.vector_load %arg9[%get3A_54] {strides = array<i32>} : memref<25008xf32, #tpu.memory_space<vmem>>, vector<16xf32>,
      %get3A_56 = vector.shape_cast %get3A_55 : vector<16xf32> to vector<16xf32>
      %get3A_57 = arith.index_cast %mul3A_53 : i32 to index
      %get3A_58 = tpu.vector_load %arg10[%get3A_57] {strides = array<i32>} : memref<25008xf32, #tpu.memory_space<vmem>>, vector<16xf32>,
      %get3A_59 = vector.shape_cast %get3A_58 : vector<16xf32> to vector<16xf32>
      %add3A_60 = arith.addf %get3A_56, %get3A_59 : vector<16xf32>
      %div3A = arith.divf %add3A_60, %get3A_4 : vector<16xf32>
      %gather3A = vector.shape_cast %broadcast_in_dim3A : vector<16x1xi32> to vector<16xi32>
      %gather3A_61 = tpu.dynamic_gather %div3A[%gather3A] in [0] : vector<16xf32>, vector<16xi32> -> vector<16xf32>
      %max3A = arith.maximumf %div3A, %gather3A_61 : vector<16xf32>
      %gather3A_62 = vector.shape_cast %broadcast_in_dim3A_10 : vector<16x1xi32> to vector<16xi32>
      %gather3A_63 = tpu.dynamic_gather %max3A[%gather3A_62] in [0] : vector<16xf32>, vector<16xi32> -> vector<16xf32>
      %max3A_64 = arith.maximumf %max3A, %gather3A_63 : vector<16xf32>
      %sub3A = arith.subf %div3A, %max3A_64 : vector<16xf32>
      %exp3A = math.exp %sub3A : vector<16xf32>
      %gather3A_65 = vector.shape_cast %broadcast_in_dim3A : vector<16x1xi32> to vector<16xi32>
      %gather3A_66 = tpu.dynamic_gather %exp3A[%gather3A_65] in [0] : vector<16xf32>, vector<16xi32> -> vector<16xf32>
      %add3A_67 = arith.addf %exp3A, %gather3A_66 : vector<16xf32>
      %gather3A_68 = vector.shape_cast %broadcast_in_dim3A_10 : vector<16x1xi32> to vector<16xi32>
      %gather3A_69 = tpu.dynamic_gather %add3A_67[%gather3A_68] in [0] : vector<16xf32>, vector<16xi32> -> vector<16xf32>
      %add3A_70 = arith.addf %add3A_67, %gather3A_69 : vector<16xf32>
      %div3A_71 = arith.divf %exp3A, %add3A_70 : vector<16xf32>
      %swap3A = arith.index_cast %mul3A_53 : i32 to index
      %swap3A_72 = tpu.vector_load %arg9[%swap3A] {strides = array<i32>} : memref<25008xf32, #tpu.memory_space<vmem>>, vector<16xf32>,
      %swap3A_73 = vector.shape_cast %swap3A_72 : vector<16xf32> to vector<16xf32>
      %swap3A_74 = vector.shape_cast %div3A_71 : vector<16xf32> to vector<16xf32>
      tpu.vector_store %arg9[%swap3A], %swap3A_74 {strides = array<i32>} : memref<25008xf32, #tpu.memory_space<vmem>>, vector<16xf32>,
    }
    %scan3A_15 = arith.constant 1563 : i32
    %eq3A = arith.constant 15 : i32
    %eq3A_16 = arith.cmpi eq, %arg1, %eq3A : i32
    %convert_element_type3A = arith.extui %eq3A_16 : i1 to i32
    %cond3A = arith.constant 0 : i32
    %cond3A_17 = arith.cmpi ne, %convert_element_type3A, %cond3A : i32
    scf.if %cond3A_17 {
      %scan3A_51 = arith.constant 0 : i32
      %scan3A_52 = arith.constant 0 : i32
      %scan3A_53 = arith.constant 8 : i32
      %scan3A_54 = arith.addi %scan3A_52, %scan3A_53 : i32
      %scan3A_55 = arith.constant 1 : i32
      scf.for %scan3A_57 = %scan3A_52 to %scan3A_54 step %scan3A_55  : i32 {
        %broadcast_in_dim3A_58 = arith.constant 0.000000e+00 : f32
        %broadcast_in_dim3A_59 = vector.broadcast %broadcast_in_dim3A_58 : f32 to vector<16xf32>
        %mul3A_60 = arith.constant 16 : i32
        %mul3A_61 = arith.muli %scan3A_57, %mul3A_60 : i32
        %add3A_62 = arith.constant 24880 : i32
        %add3A_63 = arith.addi %add3A_62, %mul3A_61 : i32
        %swap3A = arith.index_cast %add3A_63 : i32 to index
        %swap3A_64 = tpu.vector_load %arg9[%swap3A] {strides = array<i32>} : memref<25008xf32, #tpu.memory_space<vmem>>, vector<16xf32>,
        %swap3A_65 = vector.shape_cast %swap3A_64 : vector<16xf32> to vector<16xf32>
        %swap3A_66 = vector.shape_cast %broadcast_in_dim3A_59 : vector<16xf32> to vector<16xf32>
        tpu.vector_store %arg9[%swap3A], %swap3A_66 {strides = array<i32>} : memref<25008xf32, #tpu.memory_space<vmem>>, vector<16xf32>,
      }
      %scan3A_56 = arith.constant 8 : i32
    } else {
    }
    "tpu.region"() ({
      %run_scoped3A = tpu.sem_alloc : memref<!tpu.dma_semaphore, #tpu.memory_space<semaphore_mem>>
      %dma_start3A = tpu.memref_slice %arg19[%mul3A_2] : memref<400128xf32, #tpu.memory_space<vmem_shared>> -> memref<25008xf32, #tpu.memory_space<vmem_shared>>
      %dma_start3A_51 = tpu.memref_slice %arg19[%mul3A_2] : memref<400128xf32, #tpu.memory_space<vmem_shared>> -> memref<25008xf32, #tpu.memory_space<vmem_shared>>
      tpu.enqueue_dma source(%arg9 : memref<25008xf32, #tpu.memory_space<vmem>>) target(%dma_start3A_51 : memref<25008xf32, #tpu.memory_space<vmem_shared>>) target_semaphore(%run_scoped3A : memref<!tpu.dma_semaphore, #tpu.memory_space<semaphore_mem>>)
      %dma_wait3A = tpu.memref_slice %arg19[%mul3A_2] : memref<400128xf32, #tpu.memory_space<vmem_shared>> -> memref<25008xf32, #tpu.memory_space<vmem_shared>>
      %dma_wait3A_52 = tpu.memref_slice %arg19[%mul3A_2] : memref<400128xf32, #tpu.memory_space<vmem_shared>> -> memref<25008xf32, #tpu.memory_space<vmem_shared>>
      tpu.wait_dma2 semaphore(%run_scoped3A : memref<!tpu.dma_semaphore, #tpu.memory_space<semaphore_mem>>) src(%arg9 : memref<25008xf32, #tpu.memory_space<vmem>>) dst(%dma_wait3A_52 : memref<25008xf32, #tpu.memory_space<vmem_shared>>)
      tpu.yield
    }) : () -> ()
    %scan3A_18 = arith.constant 0 : i32
    %scan3A_19 = arith.constant 0 : i32
    %scan3A_20 = arith.constant 128 : i32
    %scan3A_21 = arith.addi %scan3A_19, %scan3A_20 : i32
    %scan3A_22 = arith.constant 1 : i32
    scf.for %scan3A_51 = %scan3A_19 to %scan3A_21 step %scan3A_22  : i32 {
      %broadcast_in_dim3A_52 = arith.constant 0.000000e+00 : f32
      %broadcast_in_dim3A_53 = vector.broadcast %broadcast_in_dim3A_52 : f32 to vector<16xf32>
      %mul3A_54 = arith.constant 16 : i32
      %mul3A_55 = arith.muli %scan3A_51, %mul3A_54 : i32
      %swap3A = arith.index_cast %mul3A_55 : i32 to index
      %swap3A_56 = tpu.vector_load %arg12[%swap3A] {strides = array<i32>} : memref<2048xf32, #tpu.memory_space<vmem>>, vector<16xf32>,
      %swap3A_57 = vector.shape_cast %swap3A_56 : vector<16xf32> to vector<16xf32>
      %swap3A_58 = vector.shape_cast %broadcast_in_dim3A_53 : vector<16xf32> to vector<16xf32>
      tpu.vector_store %arg12[%swap3A], %swap3A_58 {strides = array<i32>} : memref<2048xf32, #tpu.memory_space<vmem>>, vector<16xf32>,
    }
    %scan3A_23 = arith.constant 128 : i32
    %scan3A_24 = arith.constant 0 : i32
    %scan3A_25 = arith.constant 0 : i32
    %scan3A_26 = arith.constant 16 : i32
    %scan3A_27 = arith.addi %scan3A_25, %scan3A_26 : i32
    %scan3A_28 = arith.constant 1 : i32
    scf.for %scan3A_51 = %scan3A_25 to %scan3A_27 step %scan3A_28  : i32 {
      %mul3A_52 = arith.constant 32768 : i32
      %mul3A_53 = arith.muli %arg1, %mul3A_52 : i32
      %mul3A_54 = arith.constant 2048 : i32
      %mul3A_55 = arith.muli %scan3A_51, %mul3A_54 : i32
      %add3A_56 = arith.addi %mul3A_53, %mul3A_55 : i32
      "tpu.region"() ({
        %run_scoped3A = tpu.sem_alloc : memref<!tpu.dma_semaphore, #tpu.memory_space<semaphore_mem>>
        %dma_start3A = tpu.memref_slice %arg20[%add3A_56] : memref<524288xf32, #tpu.memory_space<vmem_shared>> -> memref<2048xf32, #tpu.memory_space<vmem_shared>>
        %dma_start3A_57 = tpu.memref_slice %arg20[%add3A_56] : memref<524288xf32, #tpu.memory_space<vmem_shared>> -> memref<2048xf32, #tpu.memory_space<vmem_shared>>
        tpu.enqueue_dma source(%arg12 : memref<2048xf32, #tpu.memory_space<vmem>>) target(%dma_start3A_57 : memref<2048xf32, #tpu.memory_space<vmem_shared>>) target_semaphore(%run_scoped3A : memref<!tpu.dma_semaphore, #tpu.memory_space<semaphore_mem>>)
        %dma_wait3A = tpu.memref_slice %arg20[%add3A_56] : memref<524288xf32, #tpu.memory_space<vmem_shared>> -> memref<2048xf32, #tpu.memory_space<vmem_shared>>
        %dma_wait3A_58 = tpu.memref_slice %arg20[%add3A_56] : memref<524288xf32, #tpu.memory_space<vmem_shared>> -> memref<2048xf32, #tpu.memory_space<vmem_shared>>
        tpu.wait_dma2 semaphore(%run_scoped3A : memref<!tpu.dma_semaphore, #tpu.memory_space<semaphore_mem>>) src(%arg12 : memref<2048xf32, #tpu.memory_space<vmem>>) dst(%dma_wait3A_58 : memref<2048xf32, #tpu.memory_space<vmem_shared>>)
        tpu.yield
      }) : () -> ()
    }
    %scan3A_29 = arith.constant 16 : i32
    %barrier3A = arith.constant 0 : index
    tpu.barrier barrier_id(%barrier3A)
    %mul3A_30 = arith.constant 1984 : i32
    %mul3A_31 = arith.muli %add3A, %mul3A_30 : i32
    %scan3A_32 = arith.constant 0 : i32
    %scan3A_33 = arith.constant 0 : i32
    %scan3A_34 = arith.constant 62 : i32
    %scan3A_35 = arith.addi %scan3A_33, %scan3A_34 : i32
    %scan3A_36 = arith.constant 1 : i32
    scf.for %scan3A_51 = %scan3A_33 to %scan3A_35 step %scan3A_36  : i32 {
      %mul3A_52 = arith.constant 2 : i32
      %mul3A_53 = arith.muli %mul3A_52, %scan3A_51 : i32
      %mul3A_54 = arith.constant 16 : i32
      %mul3A_55 = arith.muli %mul3A_53, %mul3A_54 : i32
      %add3A_56 = arith.addi %mul3A_31, %mul3A_55 : i32
      %mul3A_57 = arith.constant 128 : i32
      %mul3A_58 = arith.muli %add3A_56, %mul3A_57 : i32
      %add3A_59 = arith.constant 2048 : i32
      %add3A_60 = arith.addi %mul3A_58, %add3A_59 : i32
      "tpu.region"() ({
        %run_scoped3A = tpu.sem_alloc : memref<!tpu.dma_semaphore, #tpu.memory_space<semaphore_mem>>
        %dma_start3A_67 = tpu.memref_slice %arg6[%mul3A_58] : memref<8126464xi32, #tpu.memory_space<hbm>> -> memref<2048xi32, #tpu.memory_space<hbm>>
        %dma_start3A_68 = tpu.memref_slice %arg6[%mul3A_58] : memref<8126464xi32, #tpu.memory_space<hbm>> -> memref<2048xi32, #tpu.memory_space<hbm>>
        tpu.enqueue_dma source(%dma_start3A_68 : memref<2048xi32, #tpu.memory_space<hbm>>) target(%arg13 : memref<2048xi32, #tpu.memory_space<vmem>>) target_semaphore(%run_scoped3A : memref<!tpu.dma_semaphore, #tpu.memory_space<semaphore_mem>>)
        %dma_wait3A_69 = tpu.memref_slice %arg6[%mul3A_58] : memref<8126464xi32, #tpu.memory_space<hbm>> -> memref<2048xi32, #tpu.memory_space<hbm>>
        %dma_wait3A_70 = tpu.memref_slice %arg6[%mul3A_58] : memref<8126464xi32, #tpu.memory_space<hbm>> -> memref<2048xi32, #tpu.memory_space<hbm>>
        tpu.wait_dma2 semaphore(%run_scoped3A : memref<!tpu.dma_semaphore, #tpu.memory_space<semaphore_mem>>) src(%dma_wait3A_70 : memref<2048xi32, #tpu.memory_space<hbm>>) dst(%arg13 : memref<2048xi32, #tpu.memory_space<vmem>>)
        tpu.yield
      }) : () -> ()
      "tpu.region"() ({
        %run_scoped3A = tpu.sem_alloc : memref<!tpu.dma_semaphore, #tpu.memory_space<semaphore_mem>>
        %dma_start3A_67 = tpu.memref_slice %arg5[%mul3A_58] : memref<8126464xi32, #tpu.memory_space<hbm>> -> memref<2048xi32, #tpu.memory_space<hbm>>
        %dma_start3A_68 = tpu.memref_slice %arg5[%mul3A_58] : memref<8126464xi32, #tpu.memory_space<hbm>> -> memref<2048xi32, #tpu.memory_space<hbm>>
        tpu.enqueue_dma source(%dma_start3A_68 : memref<2048xi32, #tpu.memory_space<hbm>>) target(%arg14 : memref<2048xi32, #tpu.memory_space<vmem>>) target_semaphore(%run_scoped3A : memref<!tpu.dma_semaphore, #tpu.memory_space<semaphore_mem>>)
        %dma_wait3A_69 = tpu.memref_slice %arg5[%mul3A_58] : memref<8126464xi32, #tpu.memory_space<hbm>> -> memref<2048xi32, #tpu.memory_space<hbm>>
        %dma_wait3A_70 = tpu.memref_slice %arg5[%mul3A_58] : memref<8126464xi32, #tpu.memory_space<hbm>> -> memref<2048xi32, #tpu.memory_space<hbm>>
        tpu.wait_dma2 semaphore(%run_scoped3A : memref<!tpu.dma_semaphore, #tpu.memory_space<semaphore_mem>>) src(%dma_wait3A_70 : memref<2048xi32, #tpu.memory_space<hbm>>) dst(%arg14 : memref<2048xi32, #tpu.memory_space<vmem>>)
        tpu.yield
      }) : () -> ()
      "tpu.region"() ({
        %run_scoped3A = tpu.sem_alloc : memref<!tpu.dma_semaphore, #tpu.memory_space<semaphore_mem>>
        %dma_start3A_67 = arith.constant 0 : i32
        %dma_start3A_68 = tpu.memref_slice %arg19[%dma_start3A_67] : memref<400128xf32, #tpu.memory_space<vmem_shared>> -> memref<400128xf32, #tpu.memory_space<vmem_shared>>
        tpu.enqueue_indirect_dma source(%dma_start3A_68 : memref<400128xf32, #tpu.memory_space<vmem_shared>>) target(%arg15 : memref<2048xf32, #tpu.memory_space<vmem>>) offsets(%arg13 : memref<2048xi32, #tpu.memory_space<vmem>>) semaphore(%run_scoped3A : memref<!tpu.dma_semaphore, #tpu.memory_space<semaphore_mem>>)
        %dma_wait3A_69 = arith.constant 0 : i32
        %dma_wait3A_70 = tpu.memref_slice %arg19[%dma_wait3A_69] : memref<400128xf32, #tpu.memory_space<vmem_shared>> -> memref<400128xf32, #tpu.memory_space<vmem_shared>>
        tpu.wait_indirect_dma semaphore(%run_scoped3A : memref<!tpu.dma_semaphore, #tpu.memory_space<semaphore_mem>>) src(%dma_wait3A_70 : memref<400128xf32, #tpu.memory_space<vmem_shared>>) dst(%arg15 : memref<2048xf32, #tpu.memory_space<vmem>>)
        tpu.yield
      }) : () -> ()
      %dma_start3A = arith.constant 0 : i32
      %dma_start3A_61 = tpu.memref_slice %arg20[%dma_start3A] : memref<524288xf32, #tpu.memory_space<vmem_shared>> -> memref<524288xf32, #tpu.memory_space<vmem_shared>>
      tpu.enqueue_indirect_dma source(%arg15 : memref<2048xf32, #tpu.memory_space<vmem>>) target(%dma_start3A_61 : memref<524288xf32, #tpu.memory_space<vmem_shared>>) offsets(%arg14 : memref<2048xi32, #tpu.memory_space<vmem>>) semaphore(%arg21 : memref<!tpu.dma_semaphore, #tpu.memory_space<semaphore_mem>>) {add = true}
      "tpu.region"() ({
        %run_scoped3A = tpu.sem_alloc : memref<!tpu.dma_semaphore, #tpu.memory_space<semaphore_mem>>
        %dma_start3A_67 = tpu.memref_slice %arg6[%add3A_60] : memref<8126464xi32, #tpu.memory_space<hbm>> -> memref<2048xi32, #tpu.memory_space<hbm>>
        %dma_start3A_68 = tpu.memref_slice %arg6[%add3A_60] : memref<8126464xi32, #tpu.memory_space<hbm>> -> memref<2048xi32, #tpu.memory_space<hbm>>
        tpu.enqueue_dma source(%dma_start3A_68 : memref<2048xi32, #tpu.memory_space<hbm>>) target(%arg16 : memref<2048xi32, #tpu.memory_space<vmem>>) target_semaphore(%run_scoped3A : memref<!tpu.dma_semaphore, #tpu.memory_space<semaphore_mem>>)
        %dma_wait3A_69 = tpu.memref_slice %arg6[%add3A_60] : memref<8126464xi32, #tpu.memory_space<hbm>> -> memref<2048xi32, #tpu.memory_space<hbm>>
        %dma_wait3A_70 = tpu.memref_slice %arg6[%add3A_60] : memref<8126464xi32, #tpu.memory_space<hbm>> -> memref<2048xi32, #tpu.memory_space<hbm>>
        tpu.wait_dma2 semaphore(%run_scoped3A : memref<!tpu.dma_semaphore, #tpu.memory_space<semaphore_mem>>) src(%dma_wait3A_70 : memref<2048xi32, #tpu.memory_space<hbm>>) dst(%arg16 : memref<2048xi32, #tpu.memory_space<vmem>>)
        tpu.yield
      }) : () -> ()
      "tpu.region"() ({
        %run_scoped3A = tpu.sem_alloc : memref<!tpu.dma_semaphore, #tpu.memory_space<semaphore_mem>>
        %dma_start3A_67 = tpu.memref_slice %arg5[%add3A_60] : memref<8126464xi32, #tpu.memory_space<hbm>> -> memref<2048xi32, #tpu.memory_space<hbm>>
        %dma_start3A_68 = tpu.memref_slice %arg5[%add3A_60] : memref<8126464xi32, #tpu.memory_space<hbm>> -> memref<2048xi32, #tpu.memory_space<hbm>>
        tpu.enqueue_dma source(%dma_start3A_68 : memref<2048xi32, #tpu.memory_space<hbm>>) target(%arg17 : memref<2048xi32, #tpu.memory_space<vmem>>) target_semaphore(%run_scoped3A : memref<!tpu.dma_semaphore, #tpu.memory_space<semaphore_mem>>)
        %dma_wait3A_69 = tpu.memref_slice %arg5[%add3A_60] : memref<8126464xi32, #tpu.memory_space<hbm>> -> memref<2048xi32, #tpu.memory_space<hbm>>
        %dma_wait3A_70 = tpu.memref_slice %arg5[%add3A_60] : memref<8126464xi32, #tpu.memory_space<hbm>> -> memref<2048xi32, #tpu.memory_space<hbm>>
        tpu.wait_dma2 semaphore(%run_scoped3A : memref<!tpu.dma_semaphore, #tpu.memory_space<semaphore_mem>>) src(%dma_wait3A_70 : memref<2048xi32, #tpu.memory_space<hbm>>) dst(%arg17 : memref<2048xi32, #tpu.memory_space<vmem>>)
        tpu.yield
      }) : () -> ()
      "tpu.region"() ({
        %run_scoped3A = tpu.sem_alloc : memref<!tpu.dma_semaphore, #tpu.memory_space<semaphore_mem>>
        %dma_start3A_67 = arith.constant 0 : i32
        %dma_start3A_68 = tpu.memref_slice %arg19[%dma_start3A_67] : memref<400128xf32, #tpu.memory_space<vmem_shared>> -> memref<400128xf32, #tpu.memory_space<vmem_shared>>
        tpu.enqueue_indirect_dma source(%dma_start3A_68 : memref<400128xf32, #tpu.memory_space<vmem_shared>>) target(%arg18 : memref<2048xf32, #tpu.memory_space<vmem>>) offsets(%arg16 : memref<2048xi32, #tpu.memory_space<vmem>>) semaphore(%run_scoped3A : memref<!tpu.dma_semaphore, #tpu.memory_space<semaphore_mem>>)
        %dma_wait3A_69 = arith.constant 0 : i32
        %dma_wait3A_70 = tpu.memref_slice %arg19[%dma_wait3A_69] : memref<400128xf32, #tpu.memory_space<vmem_shared>> -> memref<400128xf32, #tpu.memory_space<vmem_shared>>
        tpu.wait_indirect_dma semaphore(%run_scoped3A : memref<!tpu.dma_semaphore, #tpu.memory_space<semaphore_mem>>) src(%dma_wait3A_70 : memref<400128xf32, #tpu.memory_space<vmem_shared>>) dst(%arg18 : memref<2048xf32, #tpu.memory_space<vmem>>)
        tpu.yield
      }) : () -> ()
      %dma_wait3A = arith.constant 0 : i32
      %dma_wait3A_62 = tpu.memref_slice %arg20[%dma_wait3A] : memref<524288xf32, #tpu.memory_space<vmem_shared>> -> memref<524288xf32, #tpu.memory_space<vmem_shared>>
      tpu.wait_indirect_dma semaphore(%arg21 : memref<!tpu.dma_semaphore, #tpu.memory_space<semaphore_mem>>) src(%arg15 : memref<2048xf32, #tpu.memory_space<vmem>>) dst(%dma_wait3A_62 : memref<524288xf32, #tpu.memory_space<vmem_shared>>)
      %dma_start3A_63 = arith.constant 0 : i32
      %dma_start3A_64 = tpu.memref_slice %arg20[%dma_start3A_63] : memref<524288xf32, #tpu.memory_space<vmem_shared>> -> memref<524288xf32, #tpu.memory_space<vmem_shared>>
      tpu.enqueue_indirect_dma source(%arg18 : memref<2048xf32, #tpu.memory_space<vmem>>) target(%dma_start3A_64 : memref<524288xf32, #tpu.memory_space<vmem_shared>>) offsets(%arg17 : memref<2048xi32, #tpu.memory_space<vmem>>) semaphore(%arg21 : memref<!tpu.dma_semaphore, #tpu.memory_space<semaphore_mem>>) {add = true}
      %dma_wait3A_65 = arith.constant 0 : i32
      %dma_wait3A_66 = tpu.memref_slice %arg20[%dma_wait3A_65] : memref<524288xf32, #tpu.memory_space<vmem_shared>> -> memref<524288xf32, #tpu.memory_space<vmem_shared>>
      tpu.wait_indirect_dma semaphore(%arg21 : memref<!tpu.dma_semaphore, #tpu.memory_space<semaphore_mem>>) src(%arg18 : memref<2048xf32, #tpu.memory_space<vmem>>) dst(%dma_wait3A_66 : memref<524288xf32, #tpu.memory_space<vmem_shared>>)
    }
    %scan3A_37 = arith.constant 62 : i32
    %barrier3A_38 = arith.constant 0 : index
    tpu.barrier barrier_id(%barrier3A_38)
    %mul3A_39 = arith.constant 32768 : i32
    %mul3A_40 = arith.muli %arg1, %mul3A_39 : i32
    %eq3A_41 = arith.constant 0 : i32
    %eq3A_42 = arith.cmpi eq, %arg0, %eq3A_41 : i32
    %convert_element_type3A_43 = arith.extui %eq3A_42 : i1 to i32
    %cond3A_44 = arith.constant 0 : i32
    %cond3A_45 = arith.cmpi ne, %convert_element_type3A_43, %cond3A_44 : i32
    scf.if %cond3A_45 {
      "tpu.region"() ({
        %run_scoped3A = tpu.sem_alloc : memref<!tpu.dma_semaphore, #tpu.memory_space<semaphore_mem>>
        %dma_start3A = tpu.memref_slice %arg7[%mul3A_40] : memref<524288xf32, #tpu.memory_space<hbm>> -> memref<32768xf32, #tpu.memory_space<hbm>>
        %dma_start3A_51 = tpu.memref_slice %arg20[%mul3A_40] : memref<524288xf32, #tpu.memory_space<vmem_shared>> -> memref<32768xf32, #tpu.memory_space<vmem_shared>>
        tpu.enqueue_dma source(%dma_start3A_51 : memref<32768xf32, #tpu.memory_space<vmem_shared>>) target(%dma_start3A : memref<32768xf32, #tpu.memory_space<hbm>>) target_semaphore(%run_scoped3A : memref<!tpu.dma_semaphore, #tpu.memory_space<semaphore_mem>>)
        %dma_wait3A = tpu.memref_slice %arg7[%mul3A_40] : memref<524288xf32, #tpu.memory_space<hbm>> -> memref<32768xf32, #tpu.memory_space<hbm>>
        %dma_wait3A_52 = tpu.memref_slice %arg20[%mul3A_40] : memref<524288xf32, #tpu.memory_space<vmem_shared>> -> memref<32768xf32, #tpu.memory_space<vmem_shared>>
        tpu.wait_dma2 semaphore(%run_scoped3A : memref<!tpu.dma_semaphore, #tpu.memory_space<semaphore_mem>>) src(%dma_wait3A_52 : memref<32768xf32, #tpu.memory_space<vmem_shared>>) dst(%dma_wait3A : memref<32768xf32, #tpu.memory_space<hbm>>)
        tpu.yield
      }) : () -> ()
    } else {
    }
    %eq3A_46 = arith.constant 1 : i32
    %eq3A_47 = arith.cmpi eq, %arg0, %eq3A_46 : i32
    %convert_element_type3A_48 = arith.extui %eq3A_47 : i1 to i32
    %cond3A_49 = arith.constant 0 : i32
    %cond3A_50 = arith.cmpi ne, %convert_element_type3A_48, %cond3A_49 : i32
    scf.if %cond3A_50 {
      "tpu.region"() ({
        %run_scoped3A = tpu.sem_alloc : memref<!tpu.dma_semaphore, #tpu.memory_space<semaphore_mem>>
        %dma_start3A = tpu.memref_slice %arg8[%mul3A_40] : memref<524288xf32, #tpu.memory_space<hbm>> -> memref<32768xf32, #tpu.memory_space<hbm>>
        %dma_start3A_51 = tpu.memref_slice %arg20[%mul3A_40] : memref<524288xf32, #tpu.memory_space<vmem_shared>> -> memref<32768xf32, #tpu.memory_space<vmem_shared>>
        tpu.enqueue_dma source(%dma_start3A_51 : memref<32768xf32, #tpu.memory_space<vmem_shared>>) target(%dma_start3A : memref<32768xf32, #tpu.memory_space<hbm>>) target_semaphore(%run_scoped3A : memref<!tpu.dma_semaphore, #tpu.memory_space<semaphore_mem>>)
        %dma_wait3A = tpu.memref_slice %arg8[%mul3A_40] : memref<524288xf32, #tpu.memory_space<hbm>> -> memref<32768xf32, #tpu.memory_space<hbm>>
        %dma_wait3A_52 = tpu.memref_slice %arg20[%mul3A_40] : memref<524288xf32, #tpu.memory_space<vmem_shared>> -> memref<32768xf32, #tpu.memory_space<vmem_shared>>
        tpu.wait_dma2 semaphore(%run_scoped3A : memref<!tpu.dma_semaphore, #tpu.memory_space<semaphore_mem>>) src(%dma_wait3A_52 : memref<32768xf32, #tpu.memory_space<vmem_shared>>) dst(%dma_wait3A : memref<32768xf32, #tpu.memory_space<hbm>>)
        tpu.yield
      }) : () -> ()
    } else {
    }
    return
  }
}

module attributes {stable_mosaic.version = 14 : i64} {
  func.func @_red_body(%arg0: i32, %arg1: memref<512x128xf32, #tpu.memory_space<vmem>>, %arg2: memref<512x128xf32, #tpu.memory_space<vmem>>, %arg3: memref<8x128xf32, #tpu.memory_space<vmem>>) attributes {dimension_semantics = [#tpu.dimension_semantics<arbitrary>], iteration_bounds = array<i64: 8>, scalar_prefetch = 0 : i64, scratch_operands = 0 : i64, tpu.core_type = #tpu.core_type<tc>, window_params = [{transform_indices = @transform_0, window_bounds = array<i64: 512, 128>}, {transform_indices = @transform_1, window_bounds = array<i64: 512, 128>}, {pipeline_mode = #tpu.pipeline_mode<synchronous>, transform_indices = @transform_2, window_bounds = array<i64: 8, 128>}]} {
    %get3A = arith.constant 0 : index
    %get3A_0 = arith.constant 0 : index
    %get3A_1 = vector.load %arg1[%get3A, %get3A_0] : memref<512x128xf32, #tpu.memory_space<vmem>>, vector<512x128xf32>
    %get3A_2 = arith.constant 0 : index
    %get3A_3 = arith.constant 0 : index
    %get3A_4 = vector.load %arg2[%get3A_2, %get3A_3] : memref<512x128xf32, #tpu.memory_space<vmem>>, vector<512x128xf32>
    %add3A = arith.addf %get3A_1, %get3A_4 : vector<512x128xf32>
    %sub3A = arith.constant 2.000000e+00 : f32
    %sub3A_5 = vector.broadcast %sub3A : f32 to vector<512x128xf32>
    %sub3A_6 = arith.subf %add3A, %sub3A_5 : vector<512x128xf32>
    %max3A = arith.constant 0.000000e+00 : f32
    %max3A_7 = vector.broadcast %max3A : f32 to vector<512x128xf32>
    %max3A_8 = arith.maximumf %sub3A_6, %max3A_7 : vector<512x128xf32>
    %reduce_sum3A = vector.shape_cast %max3A_8 : vector<512x128xf32> to vector<1x512x128xf32>
    %reduce_sum3A_9 = arith.constant dense<0.000000e+00> : vector<1xf32>
    %reduce_sum3A_10 = vector.multi_reduction <add>, %reduce_sum3A, %reduce_sum3A_9 [1, 2] : vector<1x512x128xf32> to vector<1xf32>
    %reduce_sum3A_11 = vector.shape_cast %reduce_sum3A_10 : vector<1xf32> to vector<1x1x1xf32>
    %reduce_sum3A_12 = vector.extract %reduce_sum3A_11[0, 0, 0] : f32 from vector<1x1x1xf32>
    %mul3A = arith.constant 1.000000e+00 : f32
    %mul3A_13 = arith.mulf %reduce_sum3A_12, %mul3A : f32
    %eq3A = arith.constant 0 : i32
    %eq3A_14 = arith.cmpi eq, %arg0, %eq3A : i32
    %convert_element_type3A = arith.extui %eq3A_14 : i1 to i32
    %cond3A = arith.constant 0 : i32
    %cond3A_15 = arith.cmpi ne, %convert_element_type3A, %cond3A : i32
    scf.if %cond3A_15 {
      %broadcast_in_dim3A_30 = arith.constant 0.000000e+00 : f32
      %broadcast_in_dim3A_31 = vector.broadcast %broadcast_in_dim3A_30 : f32 to vector<8x128xf32>
      %swap3A_32 = arith.constant 0 : index
      %swap3A_33 = arith.constant 0 : index
      %swap3A_34 = vector.load %arg3[%swap3A_32, %swap3A_33] : memref<8x128xf32, #tpu.memory_space<vmem>>, vector<8x128xf32>
      tpu.vector_store %arg3[%swap3A_32, %swap3A_33], %broadcast_in_dim3A_31 {strides = array<i32>} : memref<8x128xf32, #tpu.memory_space<vmem>>, vector<8x128xf32>,
    } else {
    }
    %iota3A = tpu.iota {dimensions = array<i32: 0>} : vector<8x128xi32>
    %iota3A_16 = tpu.iota {dimensions = array<i32: 1>} : vector<8x128xi32>
    %get3A_17 = arith.constant 0 : index
    %get3A_18 = arith.constant 0 : index
    %get3A_19 = vector.load %arg3[%get3A_17, %get3A_18] : memref<8x128xf32, #tpu.memory_space<vmem>>, vector<8x128xf32>
    %eq3A_20 = arith.constant 0 : i32
    %eq3A_21 = vector.broadcast %eq3A_20 : i32 to vector<8x128xi32>
    %eq3A_22 = arith.cmpi eq, %iota3A, %eq3A_21 : vector<8x128xi32>
    %eq3A_23 = arith.constant 0 : i32
    %eq3A_24 = vector.broadcast %eq3A_23 : i32 to vector<8x128xi32>
    %eq3A_25 = arith.cmpi eq, %iota3A_16, %eq3A_24 : vector<8x128xi32>
    %and3A = arith.andi %eq3A_22, %eq3A_25 : vector<8x128xi1>
    %jit3A = arith.constant 0.000000e+00 : f32
    %broadcast_in_dim3A = vector.broadcast %mul3A_13 : f32 to vector<8x128xf32>
    %broadcast_in_dim3A_26 = vector.broadcast %jit3A : f32 to vector<8x128xf32>
    %select_n3A = arith.select %and3A, %broadcast_in_dim3A, %broadcast_in_dim3A_26 : vector<8x128xi1>, vector<8x128xf32>
    %add3A_27 = arith.addf %get3A_19, %select_n3A : vector<8x128xf32>
    %swap3A = arith.constant 0 : index
    %swap3A_28 = arith.constant 0 : index
    %swap3A_29 = vector.load %arg3[%swap3A, %swap3A_28] : memref<8x128xf32, #tpu.memory_space<vmem>>, vector<8x128xf32>
    tpu.vector_store %arg3[%swap3A, %swap3A_28], %add3A_27 {strides = array<i32>} : memref<8x128xf32, #tpu.memory_space<vmem>>, vector<8x128xf32>,
    return
  }
  func.func @transform_0(%arg0: i32) -> (i32, i32) {
    %c0_i32 = arith.constant 0 : i32
    %c0_i32_0 = arith.constant 0 : i32
    return %arg0, %c0_i32 : i32, i32
  }
  func.func @transform_1(%arg0: i32) -> (i32, i32) {
    %c0_i32 = arith.constant 0 : i32
    %c0_i32_0 = arith.constant 0 : i32
    return %arg0, %c0_i32 : i32, i32
  }
  func.func @transform_2(%arg0: i32) -> (i32, i32) {
    %c0_i32 = arith.constant 0 : i32
    %c0_i32_0 = arith.constant 0 : i32
    %c0_i32_1 = arith.constant 0 : i32
    return %c0_i32, %c0_i32_0 : i32, i32
  }
}

</mosaic_0001>

<sc_bundles>
// kernel: kernel.4.cloned.1.call-start
scs
__scs_entry_jumppad:
0x0: {  	(pc) =	sbr.rel $0x88, $3  }
0x1: {  	(tag) =	ssettag $0x0;
	lr =	simm.s32 $0x1  }
0x2: {  	[smem:$0x3F9C] =	sst lr;
	_ =	strace $0xD0000000  }
0x3: {  	_ = 	snop  }
0x4: {  	_ = 	snop  }
0x5: {  	_ = 	snop  }
0x6: {  	_ = 	snop  }
0x7: {  	_ = 	snop  }
__scs_overlays_trampoline_lowered:
0x8: {  	[smem:$0x3FAB] =	sst s0  }
0x9: {  	[smem:$0x3FAC] =	sst s1  }
0xa: {  	[smem:$0x3FAD] =	sst s2  }
0xb: {  	[smem:$0x3FAE] =	sst s3  }
0xc: {  	[smem:$0x3FAF] =	sst s4  }
0xd: {  	[smem:$0x3FB0] =	sst s5  }
0xe: {  	[smem:$0x3FB1] =	sst s6  }
0xf: {  	[smem:$0x3FB2] =	sst s7  }
0x10: {  	[smem:$0x3FB3] =	sst s8  }
0x11: {  	[smem:$0x3FB4] =	sst s9;
	s0 =	simm.s32 @!p0 $0x0  }
0x12: {  	s1 =	sld [smem:$0x3F9A];
	s0 =	simm.s32 @p0 $0x1  }
0x13: {  	[smem:$0x3FB5] =	sst s0;
	s0 =	simm.s32 @!p1 $0x0  }
0x14: {  	s2 =	sld [smem:$0x3F99];
	s0 =	simm.s32 @p1 $0x1  }
0x15: {  	[smem:$0x3FB6] =	sst s0;
	s0 =	simm.s32 @!p2 $0x0  }
0x16: {  	s3 =	sld [smem:$0x3FDB];
	s0 =	simm.s32 @p2 $0x1  }
0x17: {  	s4 =	simm.s32 $0x1BF5;
	[smem:$0x3FB8] =	sst s0  }
0x18: {  	s0 =	sld [smem:$0x3F9B];
	_ =	swait.ge [sflag:s4], $0x0  }
0x19: {  	s7 =	sld [smem:$0x3F9C]  }
0x1a: {  	s8 =	sadd.s32 $0xFFFFE003, lr  }
0x1b: {  	s9 =	sadd.s32 $0xFFFFFEF7, lr;
	s5 =	simm.s32 $0xFFFFFFFF;
	p2 =	slt.u32 s8, $0xFFFFF086  }
0x1c: {  	p1 =	slt.u32 s9, $0xF7A;
	s5 =	simm.s32 @!p2 $0x0  }
0x1d: {  	s5 =	simm.s32 @p1 $0x1;
	p0 =	seq.s32 s7, s2  }
0x1e: {  	s7 =	smul.u32 @!p0 $0xF7A, s2;
	p2 =	seq.s32 @!p0 s5, $0x0  }
0x1f: {  	s9 =	smul.u32 $0xF7A, s1;
	s8 =	simm.s32 @!p0 $0x1BF5;
	p2 =	por !p2, p0  }
0x20: {  	[sflag:s8] =	ssyncset.s32 @!p0 $0xFFFFF086;
	s6 =	sadd.s32 @!p0 s3, s7;
	s7 =	simm.s32 @!p0 $0x108  }
0x21: {  	s3 =	sadd.s32 s3, s9;
	s6 =	sadd.s32 @!p0 $0x88, s6;
	s7 =	simm.s32 @p2 $0x1082  }
0x22: {  	[simem:s7], [sflag:s8] =	dma.local @!p0 [hbm:s6], $0xF7A  }
0x23: {  	s9 =	sor.u32 $0xD0000000, s2;
	s6 =	simm.s32 $0x108;
	_ =	swait.ge @!p0 [sflag:s8], $0x0  }
0x24: {  	s3 =	sadd.s32 $0x88, s3;
	s6 =	simm.s32 @!p1 $0x1082;
	[sflag:s4] =	ssyncset.s32 $0xFFFFF086  }
0x25: {  	[simem:s6], [sflag:s4] =	dma.local [hbm:s3], $0xF7A  }
0x26: {  	[smem:$0x3F9C] =	sst s1;
	(tag) =	ssettag s2;
	_ =	strace s9  }
0x27: {  	s1 =	sld [smem:$0x3FAC]  }
0x28: {  	s2 =	sld [smem:$0x3FAD]  }
0x29: {  	s4 =	sld [smem:$0x3FAF]  }
0x2a: {  	p0 =	seq.s32 s5, $0x0;
	s5 =	sld [smem:$0x3FB0]  }
0x2b: {  	s6 =	sld [smem:$0x3FB1]  }
0x2c: {  	s7 =	sld [smem:$0x3FB2]  }
0x2d: {  	s3 =	simm.s32 $0x108;
	s8 =	sld [smem:$0x3FB3]  }
0x2e: {  	s3 =	simm.s32 @!p0 $0x1082;
	s9 =	sld [smem:$0x3FB4]  }
0x2f: {  	lr =	sadd.s32 s0, s3;
	s0 =	sld [smem:$0x3FAB]  }
0x30: {  	s3 =	sld [smem:$0x3FAE]  }
0x31: {  	[smem:$0x3FB7] =	sst s10  }
0x32: {  	s10 =	sld [smem:$0x3FB5];
	_ =	sdelay $0x3  }
0x33: {  	p0 =	seq.s32 s10, $0x1;
	s10 =	sld [smem:$0x3FB7];
	_ =	sdelay $0x3  }
0x34: {  	[smem:$0x3FB7] =	sst s10  }
0x35: {  	s10 =	sld [smem:$0x3FB6];
	_ =	sdelay $0x3  }
0x36: {  	p1 =	seq.s32 s10, $0x1;
	s10 =	sld [smem:$0x3FB7];
	_ =	sdelay $0x3  }
0x37: {  	[smem:$0x3FB7] =	sst s10  }
0x38: {  	s10 =	sld [smem:$0x3FB8]  }
0x39: {  	_ = 	snop;
	(pc) =	sbr.ind lr, $3  }
0x3a: {  	_ = 	snop  }
0x3b: {  	_ = 	snop  }
0x3c: {  	p2 =	seq.s32 s10, $0x1;
	s10 =	sld [smem:$0x3FB7]  }
0x3d: {  	_ =	shalt  }
0x3e: {  	_ =	shalt  }
0x3f: {  	_ =	shalt  }
0x40: {  	_ =	shalt  }
0x41: {  	_ =	shalt  }
0x42: {  	_ =	shalt  }
0x43: {  	_ =	shalt  }
0x44: {  	_ =	shalt  }
0x45: {  	_ =	shalt  }
0x46: {  	_ =	shalt  }
0x47: {  	_ =	shalt  }
0x48: {  	_ =	shalt  }
0x49: {  	_ =	shalt  }
0x4a: {  	_ =	shalt  }
0x4b: {  	_ =	shalt  }
0x4c: {  	_ =	shalt  }
0x4d: {  	_ =	shalt  }
0x4e: {  	_ =	shalt  }
0x4f: {  	_ =	shalt  }
0x50: {  	_ =	shalt  }
0x51: {  	_ =	shalt  }
0x52: {  	_ =	shalt  }
0x53: {  	_ =	shalt  }
0x54: {  	_ =	shalt  }
0x55: {  	_ =	shalt  }
0x56: {  	_ =	shalt  }
0x57: {  	_ =	shalt  }
0x58: {  	_ =	shalt  }
0x59: {  	_ =	shalt  }
0x5a: {  	_ =	shalt  }
0x5b: {  	_ =	shalt  }
0x5c: {  	_ =	shalt  }
0x5d: {  	_ =	shalt  }
0x5e: {  	_ =	shalt  }
0x5f: {  	_ =	shalt  }
0x60: {  	_ =	shalt  }
0x61: {  	_ =	shalt  }
0x62: {  	_ =	shalt  }
0x63: {  	_ =	shalt  }
0x64: {  	_ =	shalt  }
0x65: {  	_ =	shalt  }
0x66: {  	_ =	shalt  }
0x67: {  	_ =	shalt  }
0x68: {  	_ =	shalt  }
0x69: {  	_ =	shalt  }
0x6a: {  	_ =	shalt  }
0x6b: {  	_ =	shalt  }
0x6c: {  	_ =	shalt  }
0x6d: {  	_ =	shalt  }
0x6e: {  	_ =	shalt  }
0x6f: {  	_ =	shalt  }
0x70: {  	_ =	shalt  }
0x71: {  	_ =	shalt  }
0x72: {  	_ =	shalt  }
0x73: {  	_ =	shalt  }
0x74: {  	_ =	shalt  }
0x75: {  	_ =	shalt  }
0x76: {  	_ =	shalt  }
0x77: {  	_ =	shalt  }
0x78: {  	_ =	shalt  }
0x79: {  	_ =	shalt  }
0x7a: {  	_ =	shalt  }
0x7b: {  	_ =	shalt  }
0x7c: {  	_ =	shalt  }
0x7d: {  	_ =	shalt  }
0x7e: {  	_ =	shalt  }
0x7f: {  	_ =	shalt  }
0x80: {  	_ =	shalt  }
0x81: {  	_ =	shalt  }
0x82: {  	_ =	shalt  }
0x83: {  	_ =	shalt  }
0x84: {  	_ =	shalt  }
0x85: {  	_ =	shalt  }
0x86: {  	_ =	shalt  }
0x87: {  	_ =	shalt  }
.Lfunc_end0:
.L_simem_size_0:
called_computation_lowered:
.L_overlay_start_0:
0x88: {  	s2 =	sld [smem:$0x3FD9]  }
0x89: {  	s3 =	sld [smem:$0x3FFE];
	_ =	sdelay $0x1  }
0x8a: {  	s1 =	srdreg.scid  }
0x8b: {  	s0 =	sand.u32 $0x1, s1  }
0x8c: {  	s17 =	sshll.u32 s0, $0xA;
	s2 =	sadd.s32 s3, s2  }
0x8d: {  	s2 =	sadd.s32 s2, s17  }
0x8e: {  	[smem:$0x3FC3] =	sst s2  }
0x8f: {  	_ = 	snop  }
0x90: {  	s2 =	sld [smem:$0x3FD0];
	(tm) =	ssettm $0x1  }
0x91: {  	s18 =	sld [smem:$0x3FFB];
	_ =	sdelay $0x3  }
0x92: {  	_ =	strace s18  }
0x93: {  	s3 =	sld [smem:$0x3FFC];
	_ =	sdelay $0x3  }
0x94: {  	_ =	strace s3  }
0x95: {  	s3 =	sld [smem:$0x3FFD];
	_ =	sdelay $0x3  }
0x96: {  	_ =	strace s3  }
0x97: {  	_ =	strace $0x8FFFFFFF  }
0x98: {  	s19 =	sld [smem:$0x3FDB];
	_ =	sdelay $0x1  }
0x99: {  	s4 =	simm.s32 $_scs_section_size  }
0x9a: {  	s5 =	simm.s32 $_size__tile_overlayer_lowered;
	s6 =	simm.s32 $_tile_overlayer_lowered  }
0x9b: {  	s22 =	simm.s32 $0x1BFF;
	s21 =	sshll.u32 s6, $0x1;
	s3 =	sadd.s32 s4, s19  }
0x9c: {  	s7 =	simm.s32 $0x0;
	s20 =	sshll.u32 s5, $0x1;
	s5 =	sadd.s32 s21, s3  }
0x9d: {  	[timem:s7], [sflag:s22] =	dma.local [hbm:s5], s20  }
0x9e: {  	_ =	swait.ge [sflag:s22], s20  }
0x9f: {  	s4 =	ssub.s32 $0x0, s20;
	[sflag:s22] =	ssyncset.done $0x0  }
0xa0: {  	[sflag:s22] =	ssyncadd.s32 s4;
	_ =	sdelay $0x1  }
0xa1: {  	s23 =	simm.s32 $0x1B8B  }
0xa2: {  	_ =	swait.ge [sflag:s23], $0x1  }
0xa3: {  	[sflag:s23] =	ssyncset.done $0x0  }
0xa4: {  	s25 =	simm.s32 $0x1B8E;
	s24 =	sld [smem:$0x3FFE];
	[sflag:s23] =	ssyncadd.s32 $0xFFFFFFFF  }
0xa5: {  	s26 =	simm.s32 $execute0_lowered;
	[smem:$0x3FD2] =	sst s25  }
0xa6: {  	s5 =	sshll.u32 s26, $0x1;
	_ =	strace $0x80000046;
	[dreg:$0x1] =	wrdreg $0xFFFFFFFF  }
0xa7: {  	s28 =	simm.s32 $_size_execute0_lowered;
	s3 =	sadd.s32 s3, s5;
	[dreg:$0x0] =	wrdreg $0x0  }
0xa8: {  	s5 =	sshll.u32 s28, $0x1;
	[dreg:$0x2] =	wrdreg s3  }
0xa9: {  	[dreg:$0x3] =	wrdreg s5  }
0xaa: {  	[dreg:$0x4] =	wrdreg $0xC0  }
0xab: {  	_ =	task [dreg:s7], $0x5FFFF  }
0xac: {  	[dreg:$0x1] =	wrdreg $0xFFFFFFFF  }
0xad: {  	[dreg:$0x0] =	wrdreg $0x60  }
0xae: {  	[dreg:$0x2] =	wrdreg s24  }
0xaf: {  	[dreg:$0x3] =	wrdreg s2  }
0xb0: {  	[dreg:$0x4] =	wrdreg $0xFC800  }
0xb1: {  	[dreg:$0x5] =	wrdreg $0x15E300  }
0xb2: {  	[dreg:$0x6] =	wrdreg $0x9  }
0xb3: {  	_ =	task.clear_ibuf [dreg:s7], $0x7FFFF;
	_ =	strace $0x90000046  }
0xb4: {  	s29 =	simm.s32 $0x9;
	_ =	strace $0x80000048  }
0xb5: {  	_ =	swait.ge [sflag:s29], $0x1  }
0xb6: {  	[sflag:s29] =	ssyncadd.s32 $0xFFFFFFFF  }
0xb7: {  	_ =	strace $0x90000048  }
0xb8: {  	_ =	sfence  }
0xb9: {  	s30 =	sld [smem:$0x0];
	_ =	sdelay $0x2  }
0xba: {  	s31 =	sshll.u32 s1, $0xD;
	s1 =	sshrl.u32 s1, $0x2  }
0xbb: {  	s3 =	sand.u32 $0x4000, s31;
	s1 =	sadd.s32 s1, s30  }
0xbc: {  	s0 =	sor.u32 s3, s0;
	s1 =	sshll.u32 s1, $0x11  }
0xbd: {  	s0 =	sor.u32 s1, s0  }
0xbe: {  	s0 =	sadd.s32 $0x8F2B, s0  }
0xbf: {  	[sflag:s0] =	ssyncadd.remote.s32 $0x1  }
0xc0: {  	_ =	sfence.sel $0xFFFF  }
0xc1: {  	[dreg:$0x0] =	wrdreg $0xFFFFFFFF;
	(pc) =	sbr.abs _section_cstart, $3  }
0xc2: {  	[dreg:$0x1] =	wrdreg $0xFFFFFFFF  }
0xc3: {  	_ =	task.clear_ibuf [dreg:s7], $0x2FFFF;
	_ =	strace $0x9FFFFFFF  }
0xc4: {  	(tm) =	ssettm $0x7FFFFFFF  }
0xc5: {  	_ =	shalt  }
tec
execute0_lowered:
.L_overlay_start_1:
0x0: {  	(tag) =	ssettag $0x1  }
0x1: {  	s0 =	rddreg [dreg:$0x0]  }
0x2: {  	s3 =	rddreg [dreg:$0x2]  }
0x3: {  	s4 =	rddreg [dreg:$0x3]  }
0x4: {  	s10 =	stileid.u32;
	s2 =	srdreg.scid;
	s5 =	simm.s32 $0x0  }
0x5: {  	s30 =	simm.s32 $0x2;
	s31 =	simm.s32 $0xCC80;
	s1 =	smul.u32 $0x61B0, s10  }
0x6: {  	s2 =	sand.u32 $0x1, s2;
	s6 =	smul.u32 $0x7C000, s10;
	[smem:$0x7FF] =	sst s5  }
0x7: {  	s16 =	sshll.u32 s10, $0xF;
	s7 =	smul.u32 $0x3E000, s2;
	s8 =	sshrl.u32 s1, $0x3  }
0x8: {  	_ =	strace $0x80000047;
	s15 =	ssub.s32 $0x2, s2;
	s8 =	sadd.s32 s8, s0  }
0x9: {  	s9 =	sshrl.u32 s15, $0x1;
	s11 =	sadd.s32 $0x3000, s8;
	s8 =	sadd.s32 $0xF400, s8  }
0xa: {  	s6 =	sadd.s32 s7, s6;
	[dreg:$0x6] =	wrdreg s8;
	s8 =	sadd.s32 s16, s4  }
0xb: {  	s7 =	ssub.s32 s15, s9;
	[dreg:$0x5] =	wrdreg s11;
	s9 =	sadd.s32 $0x800, s8  }
0xc: {  	s12 =	simm.s32 $0x0;
	s19 =	sadd.s32 $0x1000, s8;
	[dreg:$0x7] =	wrdreg s9  }
0xd: {  	s17 =	sshll.u32 s10, $0xC;
	s20 =	sadd.s32 $0x1800, s8;
	[dreg:$0x8] =	wrdreg s19  }
0xe: {  	p0 =	seq.s32 s2, $0x1;
	s21 =	sadd.s32 $0x2000, s8;
	[dreg:$0x9] =	wrdreg s20  }
0xf: {  	s2 =	simm.s32 $0xC480;
	s22 =	sadd.s32 $0x2800, s8;
	[dreg:$0xa] =	wrdreg s21  }
0x10: {  	s6 =	sshrl.u32 s6, $0x3;
	s23 =	sadd.s32 $0x3000, s8;
	[dreg:$0xb] =	wrdreg s22  }
0x11: {  	s6 =	sadd.s32 s6, s0;
	s24 =	sadd.s32 $0x3800, s8;
	[dreg:$0xc] =	wrdreg s23  }
0x12: {  	v0 =	vimm.s32 $0xEFCDAB89;
	v1 =	vimm.s32 $0x67452301;
	s11 =	simm.s32 $0x1;
	s25 =	sadd.s32 $0x4000, s8;
	[dreg:$0xd] =	wrdreg s24  }
0x13: {  	v2 =	vimm.s32 $0xDCFE98BA;
	v3 =	vimm.s32 $0x54761032;
	v0 =	vunpack.c.l.s4.s8 v0;
	s26 =	sadd.s32 $0x4800, s8;
	s18 =	sadd.s32 $0x5000, s8;
	[dreg:$0xe] =	wrdreg s25  }
0x14: {  	v1 =	vunpack.c.l.s4.s8 v1;
	v2 =	vunpack.c.l.s4.s8 v2;
	v3 =	vunpack.c.l.s4.s8 v3;
	s28 =	sadd.s32 $0x7000, s8;
	s29 =	sadd.s32 $0x7800, s8;
	[dreg:$0xf] =	wrdreg s26  }
0x15: {  	v0 =	vunpack.c.0.s8.s32 v0;
	s9 =	simm.s32 $0x21B800;
	s19 =	sadd.s32 $0x5800, s8;
	s20 =	sadd.s32 s1, s3  }
0x16: {  	v1 =	vunpack.c.0.s8.s32 v1;
	v2 =	vunpack.c.0.s8.s32 v2;
	v3 =	vunpack.c.0.s8.s32 v3;
	s21 =	smax.u32 s7, $0x1;
	s22 =	sadd.s32 $0x6000, s8;
	s24 =	sadd.s32 $0x113800, s6  }
0x17: {  	s25 =	sadd.s32 $0x1B800, s6;
	s26 =	sadd.s32 $0x6800, s8;
	s1 =	simm.s32 $0x800  }
0x18: {  	v0 =	vcombine.low v1, v0;
	v1 =	vcombine.low v3, v2;
	s6 =	simm.s32 $0xDC80;
	s7 =	simm.s32 $0xE480;
	s9 =	simm.s32 @!p0 $0x20B800  }
0x19: {  	p0 =	sne.s32 s10, $0xF;
	s10 =	simm.s32 $0xF480;
	s0 =	sadd.s32 s9, s0  }
0x1a: {  	v2 =	vimm.f32 $0.0e+00;
	v0 =	vand.u32 $0xF, v0;
	v1 =	vand.u32 $0xF, v1;
	s9 =	simm.s32 $0xEC80;
	s23 =	sadd.s32 s0, s17;
	s0 =	simm.s32 $0xD480  }
.LBB2_1:
0x1b: {  	s13 =	rddreg [dreg:$0x5]  }
0x1c: {  	[tilespmem:s5], [sflag:$0x2] =	stream.linear.gather [hbm4b:s13+s5], $0x61B0, $0x38;
	[tilespmem:$0x1DE30] =	vst v63  }
0x1d: {  	_ =	swait.ge [sflag:s30], $0x61B0  }
0x1e: {  	[sflag:s30] =	ssyncset.done $0x0  }
0x1f: {  	s14 =	simm.s32 $0x6200;
	s15 =	rddreg [dreg:$0x6];
	[sflag:s30] =	ssyncadd.s32 $0xFFFF9E50  }
0x20: {  	[tilespmem:s14], [sflag:$0x2] =	stream.linear.gather [hbm4b:s15+s5], $0x61B0, $0x38;
	[tilespmem:$0x1DE30] =	vst v63  }
0x21: {  	_ =	swait.ge [sflag:s30], $0x61B0  }
0x22: {  	[sflag:s30] =	ssyncset.done $0x0  }
0x23: {  	[sflag:s30] =	ssyncadd.s32 $0xFFFF9E50  }
0x24: {  	s17 =	simm.s32 $0xC400;
	s16 =	rddreg [dreg:$0x1]  }
0x25: {  	[tilespmem:s17], [sflag:$0x2] =	stream.linear.gather [hbm4b:s16+s5], $0x80, $0x38;
	[tilespmem:$0x1DE30] =	vst v63  }
0x26: {  	_ =	swait.ge [sflag:s30], $0x80  }
0x27: {  	[sflag:s30] =	ssyncset.done $0x0  }
0x28: {  	[sflag:s30] =	ssyncadd.s32 $0xFFFFFF80  }
0x29: {  	v3 =	vld [tilespmem:$0xC400];
	_ =	sdelay $0x4  }
0x2a: {  	(erf) = vrcp.f32 v3;
	_ =	sdelay $0x7  }
0x2b: {  	s13 =	simm.s32 $0x0  }
0x2c: {  	s14 =	simm.s32 $0x40;
	v4 =	vld [tilespmem:s13+$0x6200];
	v3 =	vpop (erf)  }
.LBB2_2:
0x2d: {  	p1 =	sne.s32 s14, $0x18680;
	v5 =	vld [tilespmem:s13+$0x0];
	_ =	sdelay $0x4  }
0x2e: {  	v4 =	vadd.f32 v4, v5;
	_ =	sdelay $0x1  }
0x2f: {  	v4 =	vmul.f32 v4, v3;
	_ =	sdelay $0x1  }
0x30: {  	v5 =	vperm.xlane v4, v0;
	_ =	sdelay $0x1  }
0x31: {  	v5 =	vmax.f32 v4, v5  }
0x32: {  	v6 =	vperm.xlane v5, v1;
	_ =	sdelay $0x1  }
0x33: {  	v5 =	vmax.f32 v5, v6  }
0x34: {  	v4 =	vsub.f32 v4, v5;
	_ =	sdelay $0x1  }
0x35: {  	v4 =	vmul.f32 $1.442695020e+00, v4;
	_ =	sdelay $0x1  }
0x36: {  	(erf) = vpow2.f32 v4;
	_ =	sdelay $0x8  }
0x37: {  	v4 =	vpop (erf)  }
0x38: {  	v5 =	vperm.xlane v4, v0;
	_ =	sdelay $0x1  }
0x39: {  	v5 =	vadd.f32 v4, v5;
	_ =	sdelay $0x1  }
0x3a: {  	v6 =	vperm.xlane v5, v1;
	_ =	sdelay $0x1  }
0x3b: {  	v5 =	vadd.f32 v5, v6;
	_ =	sdelay $0x1  }
0x3c: {  	(erf) = vrcp.f32 v5;
	_ =	sdelay $0x7  }
.Ltmp0:
0x3d: {  	(pc) =	sbr.rel @p1 .LBB2_2-.Ltmp0, $4  }
0x3e: {  	v5 =	vpop (erf)  }
0x3f: {  	v5 =	vmul.f32 v5, v4  }
0x40: {  	s15 =	sshra.s32 s14, $0x2  }
0x41: {  	s14 =	sadd.s32 $0x40, s14;
	v4 =	vld [tilespmem:s15+$0x6200];
	[tilespmem:s13+$0x0] =	vst v5;
	s13 =	smov.u32 s15  }
0x42: {  	v5 =	vld [tilespmem:s13+$0x0];
	_ =	sdelay $0x4  }
0x43: {  	v4 =	vadd.f32 v4, v5;
	_ =	sdelay $0x1  }
0x44: {  	v3 =	vmul.f32 v4, v3;
	_ =	sdelay $0x1  }
0x45: {  	v4 =	vperm.xlane v3, v0;
	_ =	sdelay $0x1  }
0x46: {  	v4 =	vmax.f32 v3, v4  }
0x47: {  	v61 =	vperm.xlane v4, v1;
	_ =	sdelay $0x1  }
0x48: {  	v4 =	vmax.f32 v4, v61  }
0x49: {  	v3 =	vsub.f32 v3, v4;
	_ =	sdelay $0x1  }
0x4a: {  	v3 =	vmul.f32 $1.442695020e+00, v3;
	_ =	sdelay $0x1  }
0x4b: {  	(erf) = vpow2.f32 v3;
	_ =	sdelay $0x8  }
0x4c: {  	v3 =	vpop (erf)  }
0x4d: {  	v62 =	vperm.xlane v3, v0;
	_ =	sdelay $0x1  }
0x4e: {  	v4 =	vadd.f32 v3, v62;
	_ =	sdelay $0x1  }
0x4f: {  	v63 =	vperm.xlane v4, v1;
	_ =	sdelay $0x1  }
0x50: {  	v4 =	vadd.f32 v4, v63;
	_ =	sdelay $0x1  }
0x51: {  	(erf) = vrcp.f32 v4;
	_ =	sdelay $0x8  }
0x52: {  	v4 =	vpop (erf)  }
0x53: {  	v3 =	vmul.f32 v4, v3;
	_ =	sdelay $0x1  }
0x54: {  	[tilespmem:s13+$0x0] =	vst v3;
	v3 =	vimm.f32 @!p0 $0.0e+00  }
0x55: {  	[tilespmem:$0x6130] =	vst @!p0 v3  }
0x56: {  	[tilespmem:$0x6140] =	vst @!p0 v3  }
0x57: {  	[tilespmem:$0x6150] =	vst @!p0 v3  }
0x58: {  	[tilespmem:$0x6160] =	vst @!p0 v3  }
0x59: {  	[tilespmem:$0x6170] =	vst @!p0 v3  }
0x5a: {  	[tilespmem:$0x6180] =	vst @!p0 v3  }
0x5b: {  	[tilespmem:$0x6190] =	vst @!p0 v3  }
0x5c: {  	s17 =	simm.s32 $0x0;
	[tilespmem:$0x61A0] =	vst @!p0 v3  }
0x5d: {  	[spmem:s20] =	stream.linear.scatter [tilespmem:s17], [sflag:$0x2], $0x61B0, $0x38;
	[tilespmem:$0x1DE30] =	vst v63  }
0x5e: {  	_ =	swait.ge [sflag:s30], $0x61B0  }
0x5f: {  	[sflag:s30] =	ssyncset.done $0x0  }
0x60: {  	s14 =	simm.s32 $0x0;
	s13 =	simm.s32 $0x40;
	[sflag:s30] =	ssyncadd.s32 $0xFFFF9E50  }
.LBB2_4:
0x61: {  	p1 =	sne.s32 s13, $0x1FC0;
	[tilespmem:s14+$0xC480] =	vst v2;
	s14 =	smov.u32 s13;
	s13 =	sadd.s32 $0x40, s13  }
.Ltmp1:
0x62: {  	(pc) =	sbr.rel @p1 .LBB2_4-.Ltmp1, $2  }
0x63: {  	_ =	sdelay $0x2  }
0x64: {  	s14 =	sshra.s32 s14, $0x2  }
0x65: {  	[tilespmem:s14+$0xC480] =	vst v2  }
0x66: {  	[spmem:s8] =	stream.linear.scatter [tilespmem:s2], [sflag:$0x2], $0x800, $0x38;
	[tilespmem:$0x1DE30] =	vst v63  }
0x67: {  	_ =	swait.ge [sflag:s30], $0x800  }
0x68: {  	[sflag:s30] =	ssyncset.done $0x0  }
0x69: {  	s13 =	rddreg [dreg:$0x7];
	[sflag:s30] =	ssyncadd.s32 $0xFFFFF800  }
0x6a: {  	[spmem:s13] =	stream.linear.scatter [tilespmem:s2], [sflag:$0x2], $0x800, $0x38;
	[tilespmem:$0x1DE30] =	vst v63  }
0x6b: {  	_ =	swait.ge [sflag:s30], $0x800  }
0x6c: {  	[sflag:s30] =	ssyncset.done $0x0  }
0x6d: {  	s15 =	rddreg [dreg:$0x8];
	[sflag:s30] =	ssyncadd.s32 $0xFFFFF800  }
0x6e: {  	[spmem:s15] =	stream.linear.scatter [tilespmem:s2], [sflag:$0x2], $0x800, $0x38;
	[tilespmem:$0x1DE30] =	vst v63  }
0x6f: {  	_ =	swait.ge [sflag:s30], $0x800  }
0x70: {  	[sflag:s30] =	ssyncset.done $0x0  }
0x71: {  	s16 =	rddreg [dreg:$0x9];
	[sflag:s30] =	ssyncadd.s32 $0xFFFFF800  }
0x72: {  	[spmem:s16] =	stream.linear.scatter [tilespmem:s2], [sflag:$0x2], $0x800, $0x38;
	[tilespmem:$0x1DE30] =	vst v63  }
0x73: {  	_ =	swait.ge [sflag:s30], $0x800  }
0x74: {  	[sflag:s30] =	ssyncset.done $0x0  }
0x75: {  	s17 =	rddreg [dreg:$0xa];
	[sflag:s30] =	ssyncadd.s32 $0xFFFFF800  }
0x76: {  	[spmem:s17] =	stream.linear.scatter [tilespmem:s2], [sflag:$0x2], $0x800, $0x38;
	[tilespmem:$0x1DE30] =	vst v63  }
0x77: {  	_ =	swait.ge [sflag:s30], $0x800  }
0x78: {  	[sflag:s30] =	ssyncset.done $0x0  }
0x79: {  	s14 =	rddreg [dreg:$0xb];
	[sflag:s30] =	ssyncadd.s32 $0xFFFFF800  }
0x7a: {  	[spmem:s14] =	stream.linear.scatter [tilespmem:s2], [sflag:$0x2], $0x800, $0x38;
	[tilespmem:$0x1DE30] =	vst v63  }
0x7b: {  	_ =	swait.ge [sflag:s30], $0x800  }
0x7c: {  	[sflag:s30] =	ssyncset.done $0x0  }
0x7d: {  	s15 =	rddreg [dreg:$0xc];
	[sflag:s30] =	ssyncadd.s32 $0xFFFFF800  }
0x7e: {  	[spmem:s15] =	stream.linear.scatter [tilespmem:s2], [sflag:$0x2], $0x800, $0x38;
	[tilespmem:$0x1DE30] =	vst v63  }
0x7f: {  	_ =	swait.ge [sflag:s30], $0x800  }
0x80: {  	[sflag:s30] =	ssyncset.done $0x0  }
0x81: {  	s16 =	rddreg [dreg:$0xd];
	[sflag:s30] =	ssyncadd.s32 $0xFFFFF800  }
0x82: {  	[spmem:s16] =	stream.linear.scatter [tilespmem:s2], [sflag:$0x2], $0x800, $0x38;
	[tilespmem:$0x1DE30] =	vst v63  }
0x83: {  	_ =	swait.ge [sflag:s30], $0x800  }
0x84: {  	[sflag:s30] =	ssyncset.done $0x0  }
0x85: {  	s17 =	rddreg [dreg:$0xe];
	[sflag:s30] =	ssyncadd.s32 $0xFFFFF800  }
0x86: {  	[spmem:s17] =	stream.linear.scatter [tilespmem:s2], [sflag:$0x2], $0x800, $0x38;
	[tilespmem:$0x1DE30] =	vst v63  }
0x87: {  	_ =	swait.ge [sflag:s30], $0x800  }
0x88: {  	[sflag:s30] =	ssyncset.done $0x0  }
0x89: {  	s14 =	rddreg [dreg:$0xf];
	[sflag:s30] =	ssyncadd.s32 $0xFFFFF800  }
0x8a: {  	[spmem:s14] =	stream.linear.scatter [tilespmem:s2], [sflag:$0x2], $0x800, $0x38;
	[tilespmem:$0x1DE30] =	vst v63  }
0x8b: {  	_ =	swait.ge [sflag:s30], $0x800  }
0x8c: {  	[sflag:s30] =	ssyncset.done $0x0  }
0x8d: {  	[sflag:s30] =	ssyncadd.s32 $0xFFFFF800  }
0x8e: {  	[spmem:s18] =	stream.linear.scatter [tilespmem:s2], [sflag:$0x2], $0x800, $0x38;
	[tilespmem:$0x1DE30] =	vst v63  }
0x8f: {  	_ =	swait.ge [sflag:s30], $0x800  }
0x90: {  	[sflag:s30] =	ssyncset.done $0x0  }
0x91: {  	[sflag:s30] =	ssyncadd.s32 $0xFFFFF800  }
0x92: {  	[spmem:s19] =	stream.linear.scatter [tilespmem:s2], [sflag:$0x2], $0x800, $0x38;
	[tilespmem:$0x1DE30] =	vst v63  }
0x93: {  	_ =	swait.ge [sflag:s30], $0x800  }
0x94: {  	[sflag:s30] =	ssyncset.done $0x0  }
0x95: {  	[sflag:s30] =	ssyncadd.s32 $0xFFFFF800  }
0x96: {  	[spmem:s22] =	stream.linear.scatter [tilespmem:s2], [sflag:$0x2], $0x800, $0x38;
	[tilespmem:$0x1DE30] =	vst v63  }
0x97: {  	_ =	swait.ge [sflag:s30], $0x800  }
0x98: {  	[sflag:s30] =	ssyncset.done $0x0  }
0x99: {  	[sflag:s30] =	ssyncadd.s32 $0xFFFFF800  }
0x9a: {  	[spmem:s26] =	stream.linear.scatter [tilespmem:s2], [sflag:$0x2], $0x800, $0x38;
	[tilespmem:$0x1DE30] =	vst v63  }
0x9b: {  	_ =	swait.ge [sflag:s30], $0x800  }
0x9c: {  	[sflag:s30] =	ssyncset.done $0x0  }
0x9d: {  	[sflag:s30] =	ssyncadd.s32 $0xFFFFF800  }
0x9e: {  	[spmem:s28] =	stream.linear.scatter [tilespmem:s2], [sflag:$0x2], $0x800, $0x38;
	[tilespmem:$0x1DE30] =	vst v63  }
0x9f: {  	_ =	swait.ge [sflag:s30], $0x800  }
0xa0: {  	[sflag:s30] =	ssyncset.done $0x0  }
0xa1: {  	[sflag:s30] =	ssyncadd.s32 $0xFFFFF800  }
0xa2: {  	[spmem:s29] =	stream.linear.scatter [tilespmem:s2], [sflag:$0x2], $0x800, $0x38;
	[tilespmem:$0x1DE30] =	vst v63  }
0xa3: {  	_ =	swait.ge [sflag:s30], $0x800  }
0xa4: {  	[sflag:s30] =	ssyncset.done $0x0  }
0xa5: {  	[sflag:s30] =	ssyncadd.s32 $0xFFFFF800  }
0xa6: {  	s15 =	sadd.s32 $0x0, s24;
	[bflag:$0x0] =	sbarrier.arrive $0xFFFF  }
0xa7: {  	[tilespmem:s31], [sflag:$0x2] =	stream.linear.gather [hbm4b:s15+s5], $0x800, $0x38;
	[tilespmem:$0x1DE30] =	vst v63  }
0xa8: {  	_ =	swait.ge [sflag:s30], $0x800  }
0xa9: {  	[sflag:s30] =	ssyncset.done $0x0  }
0xaa: {  	s16 =	sadd.s32 $0x0, s25;
	[sflag:s30] =	ssyncadd.s32 $0xFFFFF800  }
0xab: {  	[tilespmem:s0], [sflag:$0x2] =	stream.linear.gather [hbm4b:s16+s5], $0x800, $0x38;
	[tilespmem:$0x1DE30] =	vst v63  }
0xac: {  	_ =	swait.ge [sflag:s30], $0x800  }
0xad: {  	[sflag:s30] =	ssyncset.done $0x0  }
0xae: {  	[sflag:s30] =	ssyncadd.s32 $0xFFFFF800  }
0xaf: {  	[tilespmem:s6], [sflag:$0x2] =	stream.indirect.gather [spmem:s3], $0x1, s31, s1, $0xb8;
	[tilespmem:$0x1DE30] =	vst v63  }
0xb0: {  	_ =	swait.ge [sflag:s30], $0x800  }
0xb1: {  	[sflag:s30] =	ssyncset.done $0x0  }
0xb2: {  	[sflag:s30] =	ssyncadd.s32 $0xFFFFF800  }
0xb3: {  	[spmem:s4] =	stream.indirect.scatter.add.f32 [tilespmem:s6], [sflag:$0x1], $0x1, s0, s1, $0xb8;
	[tilespmem:$0x1DE30] =	vst v63  }
0xb4: {  	s13 =	sadd.s32 $0x100, s15  }
0xb5: {  	[tilespmem:s7], [sflag:$0x2] =	stream.linear.gather [hbm4b:s13+s5], $0x800, $0x38;
	[tilespmem:$0x1DE30] =	vst v63  }
0xb6: {  	_ =	swait.ge [sflag:s30], $0x800  }
0xb7: {  	[sflag:s30] =	ssyncset.done $0x0  }
0xb8: {  	s17 =	sadd.s32 $0x100, s16;
	[sflag:s30] =	ssyncadd.s32 $0xFFFFF800  }
0xb9: {  	[tilespmem:s9], [sflag:$0x2] =	stream.linear.gather [hbm4b:s17+s5], $0x800, $0x38;
	[tilespmem:$0x1DE30] =	vst v63  }
0xba: {  	_ =	swait.ge [sflag:s30], $0x800  }
0xbb: {  	[sflag:s30] =	ssyncset.done $0x0  }
0xbc: {  	[sflag:s30] =	ssyncadd.s32 $0xFFFFF800  }
0xbd: {  	[tilespmem:s10], [sflag:$0x2] =	stream.indirect.gather [spmem:s3], $0x1, s7, s1, $0xb8;
	[tilespmem:$0x1DE30] =	vst v63  }
0xbe: {  	_ =	swait.ge [sflag:s30], $0x800  }
0xbf: {  	[sflag:s30] =	ssyncset.done $0x0  }
0xc0: {  	[sflag:s30] =	ssyncadd.s32 $0xFFFFF800  }
0xc1: {  	_ =	swait.ge [sflag:s11], $0x800  }
0xc2: {  	[sflag:s11] =	ssyncset.done $0x0  }
0xc3: {  	[sflag:s11] =	ssyncadd.s32 $0xFFFFF800  }
0xc4: {  	[spmem:s4] =	stream.indirect.scatter.add.f32 [tilespmem:s10], [sflag:$0x1], $0x1, s9, s1, $0xb8;
	[tilespmem:$0x1DE30] =	vst v63  }
0xc5: {  	_ =	swait.ge [sflag:s11], $0x800  }
0xc6: {  	s14 =	simm.s32 $0x400;
	s13 =	simm.s32 $0x200;
	[sflag:s11] =	ssyncset.done $0x0  }
.LBB2_6:
0xc7: {  	s16 =	sadd.s32 s13, s24  }
0xc8: {  	[sflag:s11] =	ssyncadd.s32 $0xFFFFF800;
	s17 =	smov.u32 s14;
	s15 =	sadd.s32 $0x200, s14  }
0xc9: {  	[tilespmem:s31], [sflag:$0x2] =	stream.linear.gather [hbm4b:s16+s5], $0x800, $0x38;
	[tilespmem:$0x1DE30] =	vst v63  }
0xca: {  	p1 =	sne.s32 s14, $0x7A00;
	_ =	swait.ge [sflag:s30], $0x800  }
0xcb: {  	[sflag:s30] =	ssyncset.done $0x0  }
0xcc: {  	s14 =	sadd.s32 s13, s25;
	s13 =	smov.u32 s17;
	[sflag:s30] =	ssyncadd.s32 $0xFFFFF800  }
0xcd: {  	[tilespmem:s0], [sflag:$0x2] =	stream.linear.gather [hbm4b:s14+s5], $0x800, $0x38;
	[tilespmem:$0x1DE30] =	vst v63  }
0xce: {  	_ =	swait.ge [sflag:s30], $0x800  }
0xcf: {  	[sflag:s30] =	ssyncset.done $0x0  }
0xd0: {  	[sflag:s30] =	ssyncadd.s32 $0xFFFFF800  }
0xd1: {  	[tilespmem:s6], [sflag:$0x2] =	stream.indirect.gather [spmem:s3], $0x1, s31, s1, $0xb8;
	[tilespmem:$0x1DE30] =	vst v63  }
0xd2: {  	_ =	swait.ge [sflag:s30], $0x800  }
0xd3: {  	[sflag:s30] =	ssyncset.done $0x0  }
0xd4: {  	[sflag:s30] =	ssyncadd.s32 $0xFFFFF800  }
0xd5: {  	[spmem:s4] =	stream.indirect.scatter.add.f32 [tilespmem:s6], [sflag:$0x1], $0x1, s0, s1, $0xb8;
	[tilespmem:$0x1DE30] =	vst v63  }
0xd6: {  	s16 =	sadd.s32 $0x100, s16  }
0xd7: {  	[tilespmem:s7], [sflag:$0x2] =	stream.linear.gather [hbm4b:s16+s5], $0x800, $0x38;
	[tilespmem:$0x1DE30] =	vst v63  }
0xd8: {  	_ =	swait.ge [sflag:s30], $0x800  }
0xd9: {  	[sflag:s30] =	ssyncset.done $0x0  }
0xda: {  	s14 =	sadd.s32 $0x100, s14;
	[sflag:s30] =	ssyncadd.s32 $0xFFFFF800  }
0xdb: {  	[tilespmem:s9], [sflag:$0x2] =	stream.linear.gather [hbm4b:s14+s5], $0x800, $0x38;
	[tilespmem:$0x1DE30] =	vst v63  }
0xdc: {  	_ =	swait.ge [sflag:s30], $0x800  }
0xdd: {  	[sflag:s30] =	ssyncset.done $0x0  }
0xde: {  	[sflag:s30] =	ssyncadd.s32 $0xFFFFF800  }
0xdf: {  	[tilespmem:s10], [sflag:$0x2] =	stream.indirect.gather [spmem:s3], $0x1, s7, s1, $0xb8;
	[tilespmem:$0x1DE30] =	vst v63  }
0xe0: {  	_ =	swait.ge [sflag:s30], $0x800  }
0xe1: {  	[sflag:s30] =	ssyncset.done $0x0  }
0xe2: {  	[sflag:s30] =	ssyncadd.s32 $0xFFFFF800  }
0xe3: {  	_ =	swait.ge [sflag:s11], $0x800  }
.Ltmp2:
0xe4: {  	[sflag:s11] =	ssyncset.done $0x0;
	(pc) =	sbr.rel @p1 .LBB2_6-.Ltmp2, $4  }
0xe5: {  	[sflag:s11] =	ssyncadd.s32 $0xFFFFF800  }
0xe6: {  	[spmem:s4] =	stream.indirect.scatter.add.f32 [tilespmem:s10], [sflag:$0x1], $0x1, s9, s1, $0xb8;
	[tilespmem:$0x1DE30] =	vst v63  }
0xe7: {  	_ =	swait.ge [sflag:s11], $0x800  }
0xe8: {  	s14 =	smov.u32 s15;
	[sflag:s11] =	ssyncset.done $0x0  }
0xe9: {  	s14 =	sadd.s32 s13, s24;
	[sflag:s11] =	ssyncadd.s32 $0xFFFFF800  }
0xea: {  	[tilespmem:s31], [sflag:$0x2] =	stream.linear.gather [hbm4b:s14+s5], $0x800, $0x38;
	[tilespmem:$0x1DE30] =	vst v63  }
0xeb: {  	_ =	swait.ge [sflag:s30], $0x800  }
0xec: {  	[sflag:s30] =	ssyncset.done $0x0  }
0xed: {  	s15 =	sadd.s32 s13, s25;
	[sflag:s30] =	ssyncadd.s32 $0xFFFFF800  }
0xee: {  	[tilespmem:s0], [sflag:$0x2] =	stream.linear.gather [hbm4b:s15+s5], $0x800, $0x38;
	[tilespmem:$0x1DE30] =	vst v63  }
0xef: {  	_ =	swait.ge [sflag:s30], $0x800  }
0xf0: {  	[sflag:s30] =	ssyncset.done $0x0  }
0xf1: {  	[sflag:s30] =	ssyncadd.s32 $0xFFFFF800  }
0xf2: {  	[tilespmem:s6], [sflag:$0x2] =	stream.indirect.gather [spmem:s3], $0x1, s31, s1, $0xb8;
	[tilespmem:$0x1DE30] =	vst v63  }
0xf3: {  	_ =	swait.ge [sflag:s30], $0x800  }
0xf4: {  	[sflag:s30] =	ssyncset.done $0x0  }
0xf5: {  	[sflag:s30] =	ssyncadd.s32 $0xFFFFF800  }
0xf6: {  	[spmem:s4] =	stream.indirect.scatter.add.f32 [tilespmem:s6], [sflag:$0x1], $0x1, s0, s1, $0xb8;
	[tilespmem:$0x1DE30] =	vst v63  }
0xf7: {  	s14 =	sadd.s32 $0x100, s14  }
0xf8: {  	[tilespmem:s7], [sflag:$0x2] =	stream.linear.gather [hbm4b:s14+s5], $0x800, $0x38;
	[tilespmem:$0x1DE30] =	vst v63  }
0xf9: {  	_ =	swait.ge [sflag:s30], $0x800  }
0xfa: {  	[sflag:s30] =	ssyncset.done $0x0  }
0xfb: {  	s13 =	sadd.s32 $0x100, s15;
	[sflag:s30] =	ssyncadd.s32 $0xFFFFF800  }
0xfc: {  	[tilespmem:s9], [sflag:$0x2] =	stream.linear.gather [hbm4b:s13+s5], $0x800, $0x38;
	[tilespmem:$0x1DE30] =	vst v63  }
0xfd: {  	_ =	swait.ge [sflag:s30], $0x800  }
0xfe: {  	[sflag:s30] =	ssyncset.done $0x0  }
0xff: {  	[sflag:s30] =	ssyncadd.s32 $0xFFFFF800  }
0x100: {  	[tilespmem:s10], [sflag:$0x2] =	stream.indirect.gather [spmem:s3], $0x1, s7, s1, $0xb8;
	[tilespmem:$0x1DE30] =	vst v63  }
0x101: {  	_ =	swait.ge [sflag:s30], $0x800  }
0x102: {  	[sflag:s30] =	ssyncset.done $0x0  }
0x103: {  	[sflag:s30] =	ssyncadd.s32 $0xFFFFF800  }
0x104: {  	_ =	swait.ge [sflag:s11], $0x800  }
0x105: {  	[sflag:s11] =	ssyncset.done $0x0  }
0x106: {  	[sflag:s11] =	ssyncadd.s32 $0xFFFFF800  }
0x107: {  	[spmem:s4] =	stream.indirect.scatter.add.f32 [tilespmem:s10], [sflag:$0x1], $0x1, s9, s1, $0xb8;
	[tilespmem:$0x1DE30] =	vst v63  }
0x108: {  	s16 =	stileid.u32;
	_ =	swait.ge [sflag:s11], $0x800  }
0x109: {  	s17 =	sshrl.u32 s8, $0x3;
	s12 =	sadd.s32 $0x1, s12;
	[sflag:s11] =	ssyncset.done $0x0  }
0x10a: {  	p1 =	sne.s32 s12, s21;
	s13 =	sshll.u32 s16, $0x6;
	[sflag:s11] =	ssyncadd.s32 $0xFFFFF800  }
.Ltmp3:
0x10b: {  	s13 =	sor.u32 $0x1C02, s13;
	[bflag:$0x0] =	sbarrier.arrive $0xFFFF;
	(pc) =	sbr.rel @p1 .LBB2_1-.Ltmp3, $4  }
0x10c: {  	[hbm:s23], [sflag:s13] =	dma.local [spmem:s17], $0x1000  }
0x10d: {  	_ =	swait.ge [sflag:s30], $0x1000  }
0x10e: {  	[sflag:s30] =	ssyncset.done $0x0  }
0x10f: {  	[sflag:s30] =	ssyncadd.s32 $0xFFFFF000  }
0x110: {  	_ =	sfence.sel $0x180000  }
0x111: {  	[bflag:$0x0] =	sbarrier.arrive $0xFFFF  }
0x112: {  	_ =	strace $0x90000047  }
0x113: {  	s0 =	stileid.u32;
	[bflag:$0x2] =	sbarrier.arrive $0xFFFF  }
0x114: {  	p0 =	sne.s32 s0, $0x0;
	s0 =	rddreg [dreg:$0x4]  }
0x115: {  	s0 =	sadd.s32 @!p0 $0x100000, s0  }
0x116: {  	[sflag:s0] =	ssyncadd.tile.s32 @!p0 $0x1;
	_ =	shalt  }
.Lfunc_end2:
_tile_overlayer_lowered:
.L_overlay_start_2:
0x117: {  	(tag) =	ssettag $0x2  }
0x118: {  	s0 =	rddreg [dreg:$0x0];
	s2 =	stileid.u32  }
0x119: {  	s1 =	rddreg [dreg:$0x1];
	p0 =	sne.s32 s2, $0x0  }
0x11a: {  	s3 =	rddreg [dreg:$0x2];
	[bflag:$0x3] =	sbarrier.arrive $0xFFFF;
	s2 =	simm.s32 @!p0 $0x1C02  }
0x11b: {  	[timem:s3], [sflag:s2] =	dma.local @!p0 [hbm:s0], s1  }
0x11c: {  	s0 =	simm.s32 @!p0 $0x2  }
0x11d: {  	_ =	swait.ge @!p0 [sflag:s0], s1  }
0x11e: {  	s1 =	ssub.s32 @!p0 $0x0, s1;
	[sflag:s0] =	ssyncset.done @!p0 $0x0  }
0x11f: {  	[sflag:s0] =	ssyncadd.s32 @!p0 s1  }
0x120: {  	[bflag:$0x3] =	sbarrier.arrive $0xFFFF  }
0x121: {  	_ =	shalt  }

</sc_bundles>
